<compile_context>
chip_gen: v7x
topology: tpu7x:2x2x1
jax: 0.10.2.dev20260603
libtpu: 0.0.44.dev20260713+nightly
codegen_flags: <defaults>
</compile_context>

<pallas_src>
import functools

import jax
import jax.numpy as jnp
from jax import lax
from jax.experimental import pallas as pl
from jax.experimental.pallas import tpu as pltpu
from jax.experimental.pallas import tpu_sc as plsc

N = 10000
E = 320000
B = 10
P = 1000
D = 128
C = 128

NPAD = 10112
TILES = 32
CH = 128
NCH = 81
E_PAD = TILES * NCH * CH
ROWS_PER_TILE = NPAD // 16

_mesh = plsc.VectorSubcoreMesh(core_axis_name="c", subcore_axis_name="s")


def _sc_deg_body(dst_hbm, ones_hbm, zeros_hbm, out_hbm,
                 dst_ids, ones_v, acc, sem):
    c = lax.axis_index("c")
    s = lax.axis_index("s")
    w = c * 16 + s
    base = s * ROWS_PER_TILE
    pltpu.sync_copy(zeros_hbm, acc.at[pl.ds(base, ROWS_PER_TILE)])
    pltpu.sync_copy(ones_hbm, ones_v)
    pltpu.async_copy(dst_hbm.at[w], dst_ids, sem).wait()
    plsc.subcore_barrier()

    def body(j, carry):
        pltpu.sync_copy(ones_v, acc.at[dst_ids.at[j]], add=True)
        return carry

    lax.fori_loop(0, NCH, body, 0)
    plsc.subcore_barrier()
    pltpu.sync_copy(acc.at[pl.ds(base, ROWS_PER_TILE)],
                    out_hbm.at[c].at[pl.ds(base, ROWS_PER_TILE)])


_sc_deg = pl.kernel(
    _sc_deg_body,
    out_type=jax.ShapeDtypeStruct((2, NPAD, C), jnp.float32),
    mesh=_mesh,
    scratch_types=[
        pltpu.VMEM((NCH, CH), jnp.int32),
        pltpu.VMEM((CH, C), jnp.float32),
        pltpu.VMEM_SHARED((NPAD, C), jnp.float32),
        pltpu.SemaphoreType.DMA,
    ],
)


def _sc_spmm_body(y_hbm, src_hbm, dst_hbm, zeros_hbm, out_hbm,
                  src_ids, dst_ids, rows, acc, sem):
    c = lax.axis_index("c")
    s = lax.axis_index("s")
    w = c * 16 + s
    base = s * ROWS_PER_TILE
    pltpu.sync_copy(zeros_hbm, acc.at[pl.ds(base, ROWS_PER_TILE)])
    pltpu.async_copy(src_hbm.at[w], src_ids, sem).wait()
    pltpu.async_copy(dst_hbm.at[w], dst_ids, sem).wait()
    plsc.subcore_barrier()

    def body(j, carry):
        pltpu.async_copy(y_hbm.at[src_ids.at[j]], rows, sem).wait()
        pltpu.sync_copy(rows, acc.at[dst_ids.at[j]], add=True)
        return carry

    lax.fori_loop(0, NCH, body, 0)
    plsc.subcore_barrier()
    pltpu.sync_copy(acc.at[pl.ds(base, ROWS_PER_TILE)],
                    out_hbm.at[c].at[pl.ds(base, ROWS_PER_TILE)])


_sc_spmm = pl.kernel(
    _sc_spmm_body,
    out_type=jax.ShapeDtypeStruct((2, NPAD, C), jnp.float32),
    mesh=_mesh,
    scratch_types=[
        pltpu.VMEM((NCH, CH), jnp.int32),
        pltpu.VMEM((NCH, CH), jnp.int32),
        pltpu.VMEM((CH, C), jnp.float32),
        pltpu.VMEM_SHARED((NPAD, C), jnp.float32),
        pltpu.SemaphoreType.DMA,
    ],
)


def _tc_head_body(deg_ref, x_ref, w_ref, dinv_ref, y_ref):
    deg = deg_ref[0, :, 0:1] + deg_ref[1, :, 0:1]
    rowid = lax.broadcasted_iota(jnp.int32, (NPAD, 1), 0)
    dinv = jnp.where(rowid < N, lax.rsqrt(jnp.maximum(deg, 1.0)), 0.0)
    dinv_ref[...] = dinv
    y_ref[...] = jnp.dot(x_ref[...], w_ref[...],
                         preferred_element_type=jnp.float32) * dinv


_tc_head = pl.pallas_call(
    _tc_head_body,
    out_shape=(
        jax.ShapeDtypeStruct((NPAD, 1), jnp.float32),
        jax.ShapeDtypeStruct((NPAD, C), jnp.float32),
    ),
)


def _tc_mid_body(acc_ref, dinv_ref, b_ref, w_ref, h_ref, y_ref):
    dinv = dinv_ref[...]
    a = acc_ref[0] + acc_ref[1]
    h = jnp.maximum(a * dinv + b_ref[...], 0.0)
    h_ref[...] = h
    y_ref[...] = jnp.dot(h, w_ref[...],
                         preferred_element_type=jnp.float32) * dinv


_tc_mid = pl.pallas_call(
    _tc_mid_body,
    out_shape=(
        jax.ShapeDtypeStruct((NPAD, C), jnp.float32),
        jax.ShapeDtypeStruct((NPAD, C), jnp.float32),
    ),
)


def _tc_tail_body(acc_ref, dinv_ref, b3_ref, h1_ref, h2_ref, pm_ref,
                  lw1_ref, lb1_ref, lw2_ref, lb2_ref,
                  lw3_ref, lb3_ref, lw4_ref, lb4_ref, out_ref):
    h3 = jnp.maximum((acc_ref[0] + acc_ref[1]) * dinv_ref[...] + b3_ref[...],
                     0.0)
    h = h1_ref[...] + h2_ref[...] + h3
    cols = lax.broadcasted_iota(jnp.int32, (B, NPAD), 1)
    rows = lax.broadcasted_iota(jnp.int32, (B, NPAD), 0)
    mask = jnp.where((cols // P) == rows,
                     jnp.broadcast_to(pm_ref[...], (B, NPAD)), 0.0)
    pooled = jnp.dot(mask, h, preferred_element_type=jnp.float32)
    z = jnp.maximum(jnp.dot(pooled, lw1_ref[...],
                            preferred_element_type=jnp.float32)
                    + lb1_ref[...], 0.0)
    z = jnp.maximum(jnp.dot(z, lw2_ref[...],
                            preferred_element_type=jnp.float32)
                    + lb2_ref[...], 0.0)
    z = jnp.maximum(jnp.dot(z, lw3_ref[...],
                            preferred_element_type=jnp.float32)
                    + lb3_ref[...], 0.0)
    out_ref[...] = (jnp.dot(z, lw4_ref[...],
                            preferred_element_type=jnp.float32)
                    + lb4_ref[...])


_tc_tail = pl.pallas_call(
    _tc_tail_body,
    out_shape=jax.ShapeDtypeStruct((B, 1), jnp.float32),
)


def kernel(x, edge_index, protein_mask, batch,
           W1, b1, W2, b2, W3, b3,
           lw1, lb1, lw2, lb2, lw3, lb3, lw4, lb4):
    del batch
    loops = jnp.arange(N, dtype=jnp.int32)
    n_pad_edges = E_PAD - E - N
    pad_ids = jnp.full((n_pad_edges,), N, jnp.int32)
    src = jnp.concatenate([edge_index[0], loops, pad_ids])
    dst = jnp.concatenate([edge_index[1], loops, pad_ids])
    src3 = src.reshape(TILES, NCH, CH)
    dst3 = dst.reshape(TILES, NCH, CH)

    x_pad = jnp.pad(x, ((0, NPAD - N), (0, 0)))
    zeros128 = jnp.zeros((ROWS_PER_TILE, C), jnp.float32)
    ones128 = jnp.ones((CH, C), jnp.float32)
    pm_flat = jnp.pad(protein_mask.reshape(1, N), ((0, 0), (0, NPAD - N)))

    deg2 = _sc_deg(dst3, ones128, zeros128)
    dinv, y1 = _tc_head(deg2, x_pad, W1)
    acc1 = _sc_spmm(y1, src3, dst3, zeros128)
    h1, y2 = _tc_mid(acc1, dinv, b1.reshape(1, C), W2)
    acc2 = _sc_spmm(y2, src3, dst3, zeros128)
    h2, y3 = _tc_mid(acc2, dinv, b2.reshape(1, C), W3)
    acc3 = _sc_spmm(y3, src3, dst3, zeros128)
    z = _tc_tail(acc3, dinv, b3.reshape(1, C), h1, h2, pm_flat,
                 lw1, lb1.reshape(1, -1), lw2, lb2.reshape(1, -1),
                 lw3, lb3.reshape(1, -1), lw4, lb4.reshape(1, -1))
    return z

# --- scband reference (transcript-rebuilt; emitter-appended) ---
"""Pipeline reference for scband-res-template-net-48206712930685 (READ-ONLY COPY).

The authoritative reference and input builder live on the scoring server;
editing this copy changes nothing except your own understanding.
"""

import jax, jax.numpy as jnp
import numpy as np

N = 10000   # batch_size * num_prots
E = 320000
B = 10
P = 1000
D = 128     # num_features
C = 128     # out_channels


def setup_inputs(seed: int = 0) -> dict:
    key = jax.random.key(seed)
    ks = jax.random.split(key, 20)
    x = jax.random.normal(ks[0], (N, D), dtype=jnp.float32)
    edge_index = jax.random.randint(ks[1], (2, E), 0, N, dtype=jnp.int32)
    protein_mask = jax.random.randint(ks[2], (B, P), 0, 2).astype(jnp.float32)
    batch = jnp.repeat(jnp.arange(B, dtype=jnp.int32), P)
    def lin(k, fin, fout):
        s = 1.0 / np.sqrt(fin)
        kw, kb = jax.random.split(k)
        W = jax.random.uniform(kw, (fin, fout), jnp.float32, -s, s)
        b = jax.random.uniform(kb, (fout,), jnp.float32, -s, s)
        return W, b
    W1, b1 = lin(ks[3], D, C)
    W2, b2 = lin(ks[4], C, C)
    W3, b3 = lin(ks[5], C, C)
    lw1, lb1 = lin(ks[6], C + 0, 256)   # out_channels + num_drugs (num_drugs=0)
    lw2, lb2 = lin(ks[7], 256, 64)
    lw3, lb3 = lin(ks[8], 64, 16)
    lw4, lb4 = lin(ks[9], 16, 1)
    return {"x": x, "edge_index": edge_index, "protein_mask": protein_mask,
            "batch": batch,
            "W1": W1, "b1": b1, "W2": W2, "b2": b2, "W3": W3, "b3": b3,
            "lw1": lw1, "lb1": lb1, "lw2": lw2, "lb2": lb2,
            "lw3": lw3, "lb3": lb3, "lw4": lw4, "lb4": lb4}


def _gcn_conv(x, src, dst, W, b):
    n = x.shape[0]
    deg = jnp.zeros((n,), x.dtype).at[dst].add(1.0)
    deg_safe = jnp.where(deg > 0, deg, 1.0)
    dinv = jnp.where(deg > 0, deg_safe ** -0.5, 0.0)
    norm = dinv[src] * dinv[dst]
    xw = x @ W
    msg = xw[src] * norm[:, None]
    out = jnp.zeros((n, W.shape[1]), x.dtype).at[dst].add(msg)
    return out + b


def reference(x, edge_index, protein_mask, batch,
              W1, b1, W2, b2, W3, b3,
              lw1, lb1, lw2, lb2, lw3, lb3, lw4, lb4):
    n = x.shape[0]
    loops = jnp.arange(n, dtype=edge_index.dtype)
    src = jnp.concatenate([edge_index[0], loops])
    dst = jnp.concatenate([edge_index[1], loops])
    h1 = jax.nn.relu(_gcn_conv(x, src, dst, W1, b1))
    h2 = jax.nn.relu(_gcn_conv(h1, src, dst, W2, b2))
    h3 = jax.nn.relu(_gcn_conv(h2, src, dst, W3, b3))
    h = h1 + h2 + h3
    bsz = protein_mask.shape[0]
    h = h.reshape(bsz, P, C)
    pm = protein_mask.reshape(bsz, 1, P)
    pooled = jnp.einsum('bip,bpc->bic', pm, h).reshape(bsz, -1)
    z = jax.nn.relu(pooled @ lw1 + lb1)
    z = jax.nn.relu(z @ lw2 + lb2)
    z = jax.nn.relu(z @ lw3 + lb3)
    z = z @ lw4 + lb4
    return z

if __name__ == "__main__":
    import jax
    _d = setup_inputs()
    print(jax.jit(kernel)(*tuple(_d.values())))

</pallas_src>

<mosaic_0001>
#map = affine_map<(d0, d1) -> (0, 0)>
#map1 = affine_map<(d0, d1) -> (0, 0, 0)>
module attributes {stable_mosaic.version = 14 : i64} {
  func.func @_sc_spmm_body(%arg0: i32, %arg1: i32, %arg2: memref<10112x128xf32, #tpu.memory_space<hbm>>, %arg3: memref<32x81x128xi32, #tpu.memory_space<hbm>>, %arg4: memref<32x81x128xi32, #tpu.memory_space<hbm>>, %arg5: memref<632x128xf32, #tpu.memory_space<hbm>>, %arg6: memref<2x10112x128xf32, #tpu.memory_space<hbm>>, %arg7: memref<81x128xi32, #tpu.memory_space<vmem>>, %arg8: memref<81x128xi32, #tpu.memory_space<vmem>>, %arg9: memref<128x128xf32, #tpu.memory_space<vmem>>, %arg10: memref<10112x128xf32, #tpu.memory_space<vmem_shared>>, %arg11: memref<!tpu.dma_semaphore, #tpu.memory_space<semaphore_mem>>) attributes {dimension_semantics = [#tpu.dimension_semantics<core_parallel>, #tpu.dimension_semantics<subcore_parallel>], iteration_bounds = array<i64: 2, 16>, scalar_prefetch = 0 : i64, scratch_operands = 5 : i64, tpu.core_type = #tpu.core_type<sc_vector_subcore>, window_params = [{transform_indices = #map}, {transform_indices = #map1}, {transform_indices = #map1}, {transform_indices = #map}, {transform_indices = #map1}]} {
    %mul3A = arith.constant 16 : i32
    %mul3A_0 = arith.muli %arg0, %mul3A : i32
    %add3A = arith.addi %mul3A_0, %arg1 : i32
    %mul3A_1 = arith.constant 632 : i32
    %mul3A_2 = arith.muli %arg1, %mul3A_1 : i32
    "tpu.region"() ({
      %run_scoped3A = tpu.sem_alloc : memref<!tpu.dma_semaphore, #tpu.memory_space<semaphore_mem>>
      %dma_start3A_39 = arith.constant 0 : i32
      %dma_start3A_40 = tpu.memref_slice %arg10[%mul3A_2, %dma_start3A_39] : memref<10112x128xf32, #tpu.memory_space<vmem_shared>> -> memref<632x128xf32, #tpu.memory_space<vmem_shared>>
      tpu.enqueue_dma source(%arg5 : memref<632x128xf32, #tpu.memory_space<hbm>>) target(%dma_start3A_40 : memref<632x128xf32, #tpu.memory_space<vmem_shared>>) target_semaphore(%run_scoped3A : memref<!tpu.dma_semaphore, #tpu.memory_space<semaphore_mem>>)
      %dma_wait3A_41 = arith.constant 0 : i32
      %dma_wait3A_42 = tpu.memref_slice %arg10[%mul3A_2, %dma_wait3A_41] : memref<10112x128xf32, #tpu.memory_space<vmem_shared>> -> memref<632x128xf32, #tpu.memory_space<vmem_shared>>
      tpu.wait_dma2 semaphore(%run_scoped3A : memref<!tpu.dma_semaphore, #tpu.memory_space<semaphore_mem>>) src(%arg5 : memref<632x128xf32, #tpu.memory_space<hbm>>) dst(%dma_wait3A_42 : memref<632x128xf32, #tpu.memory_space<vmem_shared>>)
      tpu.yield
    }) : () -> ()
    %dma_start3A = arith.constant 0 : i32
    %dma_start3A_3 = arith.constant 0 : i32
    %dma_start3A_4 = tpu.memref_slice %arg3[%add3A, %dma_start3A, %dma_start3A_3] : memref<32x81x128xi32, #tpu.memory_space<hbm>> -> memref<1x81x128xi32, #tpu.memory_space<hbm>>
    %dma_start3A_5 = tpu.memref_squeeze %dma_start3A_4 : memref<1x81x128xi32, #tpu.memory_space<hbm>> -> memref<81x128xi32, #tpu.memory_space<hbm>>
    %dma_start3A_6 = arith.constant 0 : i32
    %dma_start3A_7 = arith.constant 0 : i32
    %dma_start3A_8 = tpu.memref_slice %arg3[%add3A, %dma_start3A_6, %dma_start3A_7] : memref<32x81x128xi32, #tpu.memory_space<hbm>> -> memref<1x81x128xi32, #tpu.memory_space<hbm>>
    %dma_start3A_9 = tpu.memref_squeeze %dma_start3A_8 : memref<1x81x128xi32, #tpu.memory_space<hbm>> -> memref<81x128xi32, #tpu.memory_space<hbm>>
    tpu.enqueue_dma source(%dma_start3A_9 : memref<81x128xi32, #tpu.memory_space<hbm>>) target(%arg7 : memref<81x128xi32, #tpu.memory_space<vmem>>) target_semaphore(%arg11 : memref<!tpu.dma_semaphore, #tpu.memory_space<semaphore_mem>>)
    %dma_wait3A = arith.constant 0 : i32
    %dma_wait3A_10 = arith.constant 0 : i32
    %dma_wait3A_11 = tpu.memref_slice %arg3[%add3A, %dma_wait3A, %dma_wait3A_10] : memref<32x81x128xi32, #tpu.memory_space<hbm>> -> memref<1x81x128xi32, #tpu.memory_space<hbm>>
    %dma_wait3A_12 = tpu.memref_squeeze %dma_wait3A_11 : memref<1x81x128xi32, #tpu.memory_space<hbm>> -> memref<81x128xi32, #tpu.memory_space<hbm>>
    %dma_wait3A_13 = arith.constant 0 : i32
    %dma_wait3A_14 = arith.constant 0 : i32
    %dma_wait3A_15 = tpu.memref_slice %arg3[%add3A, %dma_wait3A_13, %dma_wait3A_14] : memref<32x81x128xi32, #tpu.memory_space<hbm>> -> memref<1x81x128xi32, #tpu.memory_space<hbm>>
    %dma_wait3A_16 = tpu.memref_squeeze %dma_wait3A_15 : memref<1x81x128xi32, #tpu.memory_space<hbm>> -> memref<81x128xi32, #tpu.memory_space<hbm>>
    tpu.wait_dma2 semaphore(%arg11 : memref<!tpu.dma_semaphore, #tpu.memory_space<semaphore_mem>>) src(%dma_wait3A_16 : memref<81x128xi32, #tpu.memory_space<hbm>>) dst(%arg7 : memref<81x128xi32, #tpu.memory_space<vmem>>)
    %dma_start3A_17 = arith.constant 0 : i32
    %dma_start3A_18 = arith.constant 0 : i32
    %dma_start3A_19 = tpu.memref_slice %arg4[%add3A, %dma_start3A_17, %dma_start3A_18] : memref<32x81x128xi32, #tpu.memory_space<hbm>> -> memref<1x81x128xi32, #tpu.memory_space<hbm>>
    %dma_start3A_20 = tpu.memref_squeeze %dma_start3A_19 : memref<1x81x128xi32, #tpu.memory_space<hbm>> -> memref<81x128xi32, #tpu.memory_space<hbm>>
    %dma_start3A_21 = arith.constant 0 : i32
    %dma_start3A_22 = arith.constant 0 : i32
    %dma_start3A_23 = tpu.memref_slice %arg4[%add3A, %dma_start3A_21, %dma_start3A_22] : memref<32x81x128xi32, #tpu.memory_space<hbm>> -> memref<1x81x128xi32, #tpu.memory_space<hbm>>
    %dma_start3A_24 = tpu.memref_squeeze %dma_start3A_23 : memref<1x81x128xi32, #tpu.memory_space<hbm>> -> memref<81x128xi32, #tpu.memory_space<hbm>>
    tpu.enqueue_dma source(%dma_start3A_24 : memref<81x128xi32, #tpu.memory_space<hbm>>) target(%arg8 : memref<81x128xi32, #tpu.memory_space<vmem>>) target_semaphore(%arg11 : memref<!tpu.dma_semaphore, #tpu.memory_space<semaphore_mem>>)
    %dma_wait3A_25 = arith.constant 0 : i32
    %dma_wait3A_26 = arith.constant 0 : i32
    %dma_wait3A_27 = tpu.memref_slice %arg4[%add3A, %dma_wait3A_25, %dma_wait3A_26] : memref<32x81x128xi32, #tpu.memory_space<hbm>> -> memref<1x81x128xi32, #tpu.memory_space<hbm>>
    %dma_wait3A_28 = tpu.memref_squeeze %dma_wait3A_27 : memref<1x81x128xi32, #tpu.memory_space<hbm>> -> memref<81x128xi32, #tpu.memory_space<hbm>>
    %dma_wait3A_29 = arith.constant 0 : i32
    %dma_wait3A_30 = arith.constant 0 : i32
    %dma_wait3A_31 = tpu.memref_slice %arg4[%add3A, %dma_wait3A_29, %dma_wait3A_30] : memref<32x81x128xi32, #tpu.memory_space<hbm>> -> memref<1x81x128xi32, #tpu.memory_space<hbm>>
    %dma_wait3A_32 = tpu.memref_squeeze %dma_wait3A_31 : memref<1x81x128xi32, #tpu.memory_space<hbm>> -> memref<81x128xi32, #tpu.memory_space<hbm>>
    tpu.wait_dma2 semaphore(%arg11 : memref<!tpu.dma_semaphore, #tpu.memory_space<semaphore_mem>>) src(%dma_wait3A_32 : memref<81x128xi32, #tpu.memory_space<hbm>>) dst(%arg8 : memref<81x128xi32, #tpu.memory_space<vmem>>)
    %barrier3A = arith.constant 0 : index
    tpu.barrier barrier_id(%barrier3A)
    %scan3A = arith.constant 0 : i32
    %scan3A_33 = arith.constant 0 : i32
    %scan3A_34 = arith.constant 81 : i32
    %scan3A_35 = arith.addi %scan3A_33, %scan3A_34 : i32
    %scan3A_36 = arith.constant 1 : i32
    scf.for %scan3A_39 = %scan3A_33 to %scan3A_35 step %scan3A_36  : i32 {
      %dma_start3A_40 = arith.constant 0 : i32
      %dma_start3A_41 = tpu.memref_slice %arg7[%scan3A_39, %dma_start3A_40] : memref<81x128xi32, #tpu.memory_space<vmem>> -> memref<1x128xi32, #tpu.memory_space<vmem>>
      %dma_start3A_42 = tpu.memref_squeeze %dma_start3A_41 : memref<1x128xi32, #tpu.memory_space<vmem>> -> memref<128xi32, #tpu.memory_space<vmem>>
      %dma_start3A_43 = arith.constant 0 : i32
      %dma_start3A_44 = arith.constant 0 : i32
      %dma_start3A_45 = tpu.memref_slice %arg2[%dma_start3A_43, %dma_start3A_44] : memref<10112x128xf32, #tpu.memory_space<hbm>> -> memref<10112x128xf32, #tpu.memory_space<hbm>>
      tpu.enqueue_indirect_dma source(%dma_start3A_45 : memref<10112x128xf32, #tpu.memory_space<hbm>>) target(%arg9 : memref<128x128xf32, #tpu.memory_space<vmem>>) offsets(%dma_start3A_42 : memref<128xi32, #tpu.memory_space<vmem>>) semaphore(%arg11 : memref<!tpu.dma_semaphore, #tpu.memory_space<semaphore_mem>>)
      %dma_wait3A_46 = arith.constant 0 : i32
      %dma_wait3A_47 = tpu.memref_slice %arg7[%scan3A_39, %dma_wait3A_46] : memref<81x128xi32, #tpu.memory_space<vmem>> -> memref<1x128xi32, #tpu.memory_space<vmem>>
      %dma_wait3A_48 = tpu.memref_squeeze %dma_wait3A_47 : memref<1x128xi32, #tpu.memory_space<vmem>> -> memref<128xi32, #tpu.memory_space<vmem>>
      %dma_wait3A_49 = arith.constant 0 : i32
      %dma_wait3A_50 = arith.constant 0 : i32
      %dma_wait3A_51 = tpu.memref_slice %arg2[%dma_wait3A_49, %dma_wait3A_50] : memref<10112x128xf32, #tpu.memory_space<hbm>> -> memref<10112x128xf32, #tpu.memory_space<hbm>>
      tpu.wait_indirect_dma semaphore(%arg11 : memref<!tpu.dma_semaphore, #tpu.memory_space<semaphore_mem>>) src(%dma_wait3A_51 : memref<10112x128xf32, #tpu.memory_space<hbm>>) dst(%arg9 : memref<128x128xf32, #tpu.memory_space<vmem>>)
      "tpu.region"() ({
        %run_scoped3A = tpu.sem_alloc : memref<!tpu.dma_semaphore, #tpu.memory_space<semaphore_mem>>
        %dma_start3A_52 = arith.constant 0 : i32
        %dma_start3A_53 = tpu.memref_slice %arg8[%scan3A_39, %dma_start3A_52] : memref<81x128xi32, #tpu.memory_space<vmem>> -> memref<1x128xi32, #tpu.memory_space<vmem>>
        %dma_start3A_54 = tpu.memref_squeeze %dma_start3A_53 : memref<1x128xi32, #tpu.memory_space<vmem>> -> memref<128xi32, #tpu.memory_space<vmem>>
        %dma_start3A_55 = arith.constant 0 : i32
        %dma_start3A_56 = arith.constant 0 : i32
        %dma_start3A_57 = tpu.memref_slice %arg10[%dma_start3A_55, %dma_start3A_56] : memref<10112x128xf32, #tpu.memory_space<vmem_shared>> -> memref<10112x128xf32, #tpu.memory_space<vmem_shared>>
        tpu.enqueue_indirect_dma source(%arg9 : memref<128x128xf32, #tpu.memory_space<vmem>>) target(%dma_start3A_57 : memref<10112x128xf32, #tpu.memory_space<vmem_shared>>) offsets(%dma_start3A_54 : memref<128xi32, #tpu.memory_space<vmem>>) semaphore(%run_scoped3A : memref<!tpu.dma_semaphore, #tpu.memory_space<semaphore_mem>>) {add = true}
        %dma_wait3A_58 = arith.constant 0 : i32
        %dma_wait3A_59 = tpu.memref_slice %arg8[%scan3A_39, %dma_wait3A_58] : memref<81x128xi32, #tpu.memory_space<vmem>> -> memref<1x128xi32, #tpu.memory_space<vmem>>
        %dma_wait3A_60 = tpu.memref_squeeze %dma_wait3A_59 : memref<1x128xi32, #tpu.memory_space<vmem>> -> memref<128xi32, #tpu.memory_space<vmem>>
        %dma_wait3A_61 = arith.constant 0 : i32
        %dma_wait3A_62 = arith.constant 0 : i32
        %dma_wait3A_63 = tpu.memref_slice %arg10[%dma_wait3A_61, %dma_wait3A_62] : memref<10112x128xf32, #tpu.memory_space<vmem_shared>> -> memref<10112x128xf32, #tpu.memory_space<vmem_shared>>
        tpu.wait_indirect_dma semaphore(%run_scoped3A : memref<!tpu.dma_semaphore, #tpu.memory_space<semaphore_mem>>) src(%arg9 : memref<128x128xf32, #tpu.memory_space<vmem>>) dst(%dma_wait3A_63 : memref<10112x128xf32, #tpu.memory_space<vmem_shared>>)
        tpu.yield
      }) : () -> ()
    }
    %scan3A_37 = arith.constant 81 : i32
    %barrier3A_38 = arith.constant 0 : index
    tpu.barrier barrier_id(%barrier3A_38)
    "tpu.region"() ({
      %run_scoped3A = tpu.sem_alloc : memref<!tpu.dma_semaphore, #tpu.memory_space<semaphore_mem>>
      %dma_start3A_39 = arith.constant 0 : i32
      %dma_start3A_40 = arith.constant 0 : i32
      %dma_start3A_41 = tpu.memref_slice %arg6[%arg0, %dma_start3A_39, %dma_start3A_40] : memref<2x10112x128xf32, #tpu.memory_space<hbm>> -> memref<1x10112x128xf32, #tpu.memory_space<hbm>>
      %dma_start3A_42 = tpu.memref_squeeze %dma_start3A_41 : memref<1x10112x128xf32, #tpu.memory_space<hbm>> -> memref<10112x128xf32, #tpu.memory_space<hbm>>
      %dma_start3A_43 = arith.constant 0 : i32
      %dma_start3A_44 = tpu.memref_slice %dma_start3A_42[%mul3A_2, %dma_start3A_43] : memref<10112x128xf32, #tpu.memory_space<hbm>> -> memref<632x128xf32, #tpu.memory_space<hbm>>
      %dma_start3A_45 = arith.constant 0 : i32
      %dma_start3A_46 = tpu.memref_slice %arg10[%mul3A_2, %dma_start3A_45] : memref<10112x128xf32, #tpu.memory_space<vmem_shared>> -> memref<632x128xf32, #tpu.memory_space<vmem_shared>>
      tpu.enqueue_dma source(%dma_start3A_46 : memref<632x128xf32, #tpu.memory_space<vmem_shared>>) target(%dma_start3A_44 : memref<632x128xf32, #tpu.memory_space<hbm>>) target_semaphore(%run_scoped3A : memref<!tpu.dma_semaphore, #tpu.memory_space<semaphore_mem>>)
      %dma_wait3A_47 = arith.constant 0 : i32
      %dma_wait3A_48 = arith.constant 0 : i32
      %dma_wait3A_49 = tpu.memref_slice %arg6[%arg0, %dma_wait3A_47, %dma_wait3A_48] : memref<2x10112x128xf32, #tpu.memory_space<hbm>> -> memref<1x10112x128xf32, #tpu.memory_space<hbm>>
      %dma_wait3A_50 = tpu.memref_squeeze %dma_wait3A_49 : memref<1x10112x128xf32, #tpu.memory_space<hbm>> -> memref<10112x128xf32, #tpu.memory_space<hbm>>
      %dma_wait3A_51 = arith.constant 0 : i32
      %dma_wait3A_52 = tpu.memref_slice %dma_wait3A_50[%mul3A_2, %dma_wait3A_51] : memref<10112x128xf32, #tpu.memory_space<hbm>> -> memref<632x128xf32, #tpu.memory_space<hbm>>
      %dma_wait3A_53 = arith.constant 0 : i32
      %dma_wait3A_54 = tpu.memref_slice %arg10[%mul3A_2, %dma_wait3A_53] : memref<10112x128xf32, #tpu.memory_space<vmem_shared>> -> memref<632x128xf32, #tpu.memory_space<vmem_shared>>
      tpu.wait_dma2 semaphore(%run_scoped3A : memref<!tpu.dma_semaphore, #tpu.memory_space<semaphore_mem>>) src(%dma_wait3A_54 : memref<632x128xf32, #tpu.memory_space<vmem_shared>>) dst(%dma_wait3A_52 : memref<632x128xf32, #tpu.memory_space<hbm>>)
      tpu.yield
    }) : () -> ()
    return
  }
}

#map = affine_map<(d0, d1) -> (0, 0, 0)>
#map1 = affine_map<(d0, d1) -> (0, 0)>
module attributes {stable_mosaic.version = 14 : i64} {
  func.func @_sc_deg_body(%arg0: i32, %arg1: i32, %arg2: memref<32x81x128xi32, #tpu.memory_space<hbm>>, %arg3: memref<128x128xf32, #tpu.memory_space<hbm>>, %arg4: memref<632x128xf32, #tpu.memory_space<hbm>>, %arg5: memref<2x10112x128xf32, #tpu.memory_space<hbm>>, %arg6: memref<81x128xi32, #tpu.memory_space<vmem>>, %arg7: memref<128x128xf32, #tpu.memory_space<vmem>>, %arg8: memref<10112x128xf32, #tpu.memory_space<vmem_shared>>, %arg9: memref<!tpu.dma_semaphore, #tpu.memory_space<semaphore_mem>>) attributes {dimension_semantics = [#tpu.dimension_semantics<core_parallel>, #tpu.dimension_semantics<subcore_parallel>], iteration_bounds = array<i64: 2, 16>, scalar_prefetch = 0 : i64, scratch_operands = 4 : i64, tpu.core_type = #tpu.core_type<sc_vector_subcore>, window_params = [{transform_indices = #map}, {transform_indices = #map1}, {transform_indices = #map1}, {transform_indices = #map}]} {
    %mul3A = arith.constant 16 : i32
    %mul3A_0 = arith.muli %arg0, %mul3A : i32
    %add3A = arith.addi %mul3A_0, %arg1 : i32
    %mul3A_1 = arith.constant 632 : i32
    %mul3A_2 = arith.muli %arg1, %mul3A_1 : i32
    "tpu.region"() ({
      %run_scoped3A = tpu.sem_alloc : memref<!tpu.dma_semaphore, #tpu.memory_space<semaphore_mem>>
      %dma_start3A_23 = arith.constant 0 : i32
      %dma_start3A_24 = tpu.memref_slice %arg8[%mul3A_2, %dma_start3A_23] : memref<10112x128xf32, #tpu.memory_space<vmem_shared>> -> memref<632x128xf32, #tpu.memory_space<vmem_shared>>
      tpu.enqueue_dma source(%arg4 : memref<632x128xf32, #tpu.memory_space<hbm>>) target(%dma_start3A_24 : memref<632x128xf32, #tpu.memory_space<vmem_shared>>) target_semaphore(%run_scoped3A : memref<!tpu.dma_semaphore, #tpu.memory_space<semaphore_mem>>)
      %dma_wait3A_25 = arith.constant 0 : i32
      %dma_wait3A_26 = tpu.memref_slice %arg8[%mul3A_2, %dma_wait3A_25] : memref<10112x128xf32, #tpu.memory_space<vmem_shared>> -> memref<632x128xf32, #tpu.memory_space<vmem_shared>>
      tpu.wait_dma2 semaphore(%run_scoped3A : memref<!tpu.dma_semaphore, #tpu.memory_space<semaphore_mem>>) src(%arg4 : memref<632x128xf32, #tpu.memory_space<hbm>>) dst(%dma_wait3A_26 : memref<632x128xf32, #tpu.memory_space<vmem_shared>>)
      tpu.yield
    }) : () -> ()
    "tpu.region"() ({
      %run_scoped3A = tpu.sem_alloc : memref<!tpu.dma_semaphore, #tpu.memory_space<semaphore_mem>>
      tpu.enqueue_dma source(%arg3 : memref<128x128xf32, #tpu.memory_space<hbm>>) target(%arg7 : memref<128x128xf32, #tpu.memory_space<vmem>>) target_semaphore(%run_scoped3A : memref<!tpu.dma_semaphore, #tpu.memory_space<semaphore_mem>>)
      tpu.wait_dma2 semaphore(%run_scoped3A : memref<!tpu.dma_semaphore, #tpu.memory_space<semaphore_mem>>) src(%arg3 : memref<128x128xf32, #tpu.memory_space<hbm>>) dst(%arg7 : memref<128x128xf32, #tpu.memory_space<vmem>>)
      tpu.yield
    }) : () -> ()
    %dma_start3A = arith.constant 0 : i32
    %dma_start3A_3 = arith.constant 0 : i32
    %dma_start3A_4 = tpu.memref_slice %arg2[%add3A, %dma_start3A, %dma_start3A_3] : memref<32x81x128xi32, #tpu.memory_space<hbm>> -> memref<1x81x128xi32, #tpu.memory_space<hbm>>
    %dma_start3A_5 = tpu.memref_squeeze %dma_start3A_4 : memref<1x81x128xi32, #tpu.memory_space<hbm>> -> memref<81x128xi32, #tpu.memory_space<hbm>>
    %dma_start3A_6 = arith.constant 0 : i32
    %dma_start3A_7 = arith.constant 0 : i32
    %dma_start3A_8 = tpu.memref_slice %arg2[%add3A, %dma_start3A_6, %dma_start3A_7] : memref<32x81x128xi32, #tpu.memory_space<hbm>> -> memref<1x81x128xi32, #tpu.memory_space<hbm>>
    %dma_start3A_9 = tpu.memref_squeeze %dma_start3A_8 : memref<1x81x128xi32, #tpu.memory_space<hbm>> -> memref<81x128xi32, #tpu.memory_space<hbm>>
    tpu.enqueue_dma source(%dma_start3A_9 : memref<81x128xi32, #tpu.memory_space<hbm>>) target(%arg6 : memref<81x128xi32, #tpu.memory_space<vmem>>) target_semaphore(%arg9 : memref<!tpu.dma_semaphore, #tpu.memory_space<semaphore_mem>>)
    %dma_wait3A = arith.constant 0 : i32
    %dma_wait3A_10 = arith.constant 0 : i32
    %dma_wait3A_11 = tpu.memref_slice %arg2[%add3A, %dma_wait3A, %dma_wait3A_10] : memref<32x81x128xi32, #tpu.memory_space<hbm>> -> memref<1x81x128xi32, #tpu.memory_space<hbm>>
    %dma_wait3A_12 = tpu.memref_squeeze %dma_wait3A_11 : memref<1x81x128xi32, #tpu.memory_space<hbm>> -> memref<81x128xi32, #tpu.memory_space<hbm>>
    %dma_wait3A_13 = arith.constant 0 : i32
    %dma_wait3A_14 = arith.constant 0 : i32
    %dma_wait3A_15 = tpu.memref_slice %arg2[%add3A, %dma_wait3A_13, %dma_wait3A_14] : memref<32x81x128xi32, #tpu.memory_space<hbm>> -> memref<1x81x128xi32, #tpu.memory_space<hbm>>
    %dma_wait3A_16 = tpu.memref_squeeze %dma_wait3A_15 : memref<1x81x128xi32, #tpu.memory_space<hbm>> -> memref<81x128xi32, #tpu.memory_space<hbm>>
    tpu.wait_dma2 semaphore(%arg9 : memref<!tpu.dma_semaphore, #tpu.memory_space<semaphore_mem>>) src(%dma_wait3A_16 : memref<81x128xi32, #tpu.memory_space<hbm>>) dst(%arg6 : memref<81x128xi32, #tpu.memory_space<vmem>>)
    %barrier3A = arith.constant 0 : index
    tpu.barrier barrier_id(%barrier3A)
    %scan3A = arith.constant 0 : i32
    %scan3A_17 = arith.constant 0 : i32
    %scan3A_18 = arith.constant 81 : i32
    %scan3A_19 = arith.addi %scan3A_17, %scan3A_18 : i32
    %scan3A_20 = arith.constant 1 : i32
    scf.for %scan3A_23 = %scan3A_17 to %scan3A_19 step %scan3A_20  : i32 {
      "tpu.region"() ({
        %run_scoped3A = tpu.sem_alloc : memref<!tpu.dma_semaphore, #tpu.memory_space<semaphore_mem>>
        %dma_start3A_24 = arith.constant 0 : i32
        %dma_start3A_25 = tpu.memref_slice %arg6[%scan3A_23, %dma_start3A_24] : memref<81x128xi32, #tpu.memory_space<vmem>> -> memref<1x128xi32, #tpu.memory_space<vmem>>
        %dma_start3A_26 = tpu.memref_squeeze %dma_start3A_25 : memref<1x128xi32, #tpu.memory_space<vmem>> -> memref<128xi32, #tpu.memory_space<vmem>>
        %dma_start3A_27 = arith.constant 0 : i32
        %dma_start3A_28 = arith.constant 0 : i32
        %dma_start3A_29 = tpu.memref_slice %arg8[%dma_start3A_27, %dma_start3A_28] : memref<10112x128xf32, #tpu.memory_space<vmem_shared>> -> memref<10112x128xf32, #tpu.memory_space<vmem_shared>>
        tpu.enqueue_indirect_dma source(%arg7 : memref<128x128xf32, #tpu.memory_space<vmem>>) target(%dma_start3A_29 : memref<10112x128xf32, #tpu.memory_space<vmem_shared>>) offsets(%dma_start3A_26 : memref<128xi32, #tpu.memory_space<vmem>>) semaphore(%run_scoped3A : memref<!tpu.dma_semaphore, #tpu.memory_space<semaphore_mem>>) {add = true}
        %dma_wait3A_30 = arith.constant 0 : i32
        %dma_wait3A_31 = tpu.memref_slice %arg6[%scan3A_23, %dma_wait3A_30] : memref<81x128xi32, #tpu.memory_space<vmem>> -> memref<1x128xi32, #tpu.memory_space<vmem>>
        %dma_wait3A_32 = tpu.memref_squeeze %dma_wait3A_31 : memref<1x128xi32, #tpu.memory_space<vmem>> -> memref<128xi32, #tpu.memory_space<vmem>>
        %dma_wait3A_33 = arith.constant 0 : i32
        %dma_wait3A_34 = arith.constant 0 : i32
        %dma_wait3A_35 = tpu.memref_slice %arg8[%dma_wait3A_33, %dma_wait3A_34] : memref<10112x128xf32, #tpu.memory_space<vmem_shared>> -> memref<10112x128xf32, #tpu.memory_space<vmem_shared>>
        tpu.wait_indirect_dma semaphore(%run_scoped3A : memref<!tpu.dma_semaphore, #tpu.memory_space<semaphore_mem>>) src(%arg7 : memref<128x128xf32, #tpu.memory_space<vmem>>) dst(%dma_wait3A_35 : memref<10112x128xf32, #tpu.memory_space<vmem_shared>>)
        tpu.yield
      }) : () -> ()
    }
    %scan3A_21 = arith.constant 81 : i32
    %barrier3A_22 = arith.constant 0 : index
    tpu.barrier barrier_id(%barrier3A_22)
    "tpu.region"() ({
      %run_scoped3A = tpu.sem_alloc : memref<!tpu.dma_semaphore, #tpu.memory_space<semaphore_mem>>
      %dma_start3A_23 = arith.constant 0 : i32
      %dma_start3A_24 = arith.constant 0 : i32
      %dma_start3A_25 = tpu.memref_slice %arg5[%arg0, %dma_start3A_23, %dma_start3A_24] : memref<2x10112x128xf32, #tpu.memory_space<hbm>> -> memref<1x10112x128xf32, #tpu.memory_space<hbm>>
      %dma_start3A_26 = tpu.memref_squeeze %dma_start3A_25 : memref<1x10112x128xf32, #tpu.memory_space<hbm>> -> memref<10112x128xf32, #tpu.memory_space<hbm>>
      %dma_start3A_27 = arith.constant 0 : i32
      %dma_start3A_28 = tpu.memref_slice %dma_start3A_26[%mul3A_2, %dma_start3A_27] : memref<10112x128xf32, #tpu.memory_space<hbm>> -> memref<632x128xf32, #tpu.memory_space<hbm>>
      %dma_start3A_29 = arith.constant 0 : i32
      %dma_start3A_30 = tpu.memref_slice %arg8[%mul3A_2, %dma_start3A_29] : memref<10112x128xf32, #tpu.memory_space<vmem_shared>> -> memref<632x128xf32, #tpu.memory_space<vmem_shared>>
      tpu.enqueue_dma source(%dma_start3A_30 : memref<632x128xf32, #tpu.memory_space<vmem_shared>>) target(%dma_start3A_28 : memref<632x128xf32, #tpu.memory_space<hbm>>) target_semaphore(%run_scoped3A : memref<!tpu.dma_semaphore, #tpu.memory_space<semaphore_mem>>)
      %dma_wait3A_31 = arith.constant 0 : i32
      %dma_wait3A_32 = arith.constant 0 : i32
      %dma_wait3A_33 = tpu.memref_slice %arg5[%arg0, %dma_wait3A_31, %dma_wait3A_32] : memref<2x10112x128xf32, #tpu.memory_space<hbm>> -> memref<1x10112x128xf32, #tpu.memory_space<hbm>>
      %dma_wait3A_34 = tpu.memref_squeeze %dma_wait3A_33 : memref<1x10112x128xf32, #tpu.memory_space<hbm>> -> memref<10112x128xf32, #tpu.memory_space<hbm>>
      %dma_wait3A_35 = arith.constant 0 : i32
      %dma_wait3A_36 = tpu.memref_slice %dma_wait3A_34[%mul3A_2, %dma_wait3A_35] : memref<10112x128xf32, #tpu.memory_space<hbm>> -> memref<632x128xf32, #tpu.memory_space<hbm>>
      %dma_wait3A_37 = arith.constant 0 : i32
      %dma_wait3A_38 = tpu.memref_slice %arg8[%mul3A_2, %dma_wait3A_37] : memref<10112x128xf32, #tpu.memory_space<vmem_shared>> -> memref<632x128xf32, #tpu.memory_space<vmem_shared>>
      tpu.wait_dma2 semaphore(%run_scoped3A : memref<!tpu.dma_semaphore, #tpu.memory_space<semaphore_mem>>) src(%dma_wait3A_38 : memref<632x128xf32, #tpu.memory_space<vmem_shared>>) dst(%dma_wait3A_36 : memref<632x128xf32, #tpu.memory_space<hbm>>)
      tpu.yield
    }) : () -> ()
    return
  }
}

#map = affine_map<(d0, d1) -> (0, 0)>
#map1 = affine_map<(d0, d1) -> (0, 0, 0)>
module attributes {stable_mosaic.version = 14 : i64} {
  func.func @_sc_spmm_body(%arg0: i32, %arg1: i32, %arg2: memref<10112x128xf32, #tpu.memory_space<hbm>>, %arg3: memref<32x81x128xi32, #tpu.memory_space<hbm>>, %arg4: memref<32x81x128xi32, #tpu.memory_space<hbm>>, %arg5: memref<632x128xf32, #tpu.memory_space<hbm>>, %arg6: memref<2x10112x128xf32, #tpu.memory_space<hbm>>, %arg7: memref<81x128xi32, #tpu.memory_space<vmem>>, %arg8: memref<81x128xi32, #tpu.memory_space<vmem>>, %arg9: memref<128x128xf32, #tpu.memory_space<vmem>>, %arg10: memref<10112x128xf32, #tpu.memory_space<vmem_shared>>, %arg11: memref<!tpu.dma_semaphore, #tpu.memory_space<semaphore_mem>>) attributes {dimension_semantics = [#tpu.dimension_semantics<core_parallel>, #tpu.dimension_semantics<subcore_parallel>], iteration_bounds = array<i64: 2, 16>, scalar_prefetch = 0 : i64, scratch_operands = 5 : i64, tpu.core_type = #tpu.core_type<sc_vector_subcore>, window_params = [{transform_indices = #map}, {transform_indices = #map1}, {transform_indices = #map1}, {transform_indices = #map}, {transform_indices = #map1}]} {
    %mul3A = arith.constant 16 : i32
    %mul3A_0 = arith.muli %arg0, %mul3A : i32
    %add3A = arith.addi %mul3A_0, %arg1 : i32
    %mul3A_1 = arith.constant 632 : i32
    %mul3A_2 = arith.muli %arg1, %mul3A_1 : i32
    "tpu.region"() ({
      %run_scoped3A = tpu.sem_alloc : memref<!tpu.dma_semaphore, #tpu.memory_space<semaphore_mem>>
      %dma_start3A_39 = arith.constant 0 : i32
      %dma_start3A_40 = tpu.memref_slice %arg10[%mul3A_2, %dma_start3A_39] : memref<10112x128xf32, #tpu.memory_space<vmem_shared>> -> memref<632x128xf32, #tpu.memory_space<vmem_shared>>
      tpu.enqueue_dma source(%arg5 : memref<632x128xf32, #tpu.memory_space<hbm>>) target(%dma_start3A_40 : memref<632x128xf32, #tpu.memory_space<vmem_shared>>) target_semaphore(%run_scoped3A : memref<!tpu.dma_semaphore, #tpu.memory_space<semaphore_mem>>)
      %dma_wait3A_41 = arith.constant 0 : i32
      %dma_wait3A_42 = tpu.memref_slice %arg10[%mul3A_2, %dma_wait3A_41] : memref<10112x128xf32, #tpu.memory_space<vmem_shared>> -> memref<632x128xf32, #tpu.memory_space<vmem_shared>>
      tpu.wait_dma2 semaphore(%run_scoped3A : memref<!tpu.dma_semaphore, #tpu.memory_space<semaphore_mem>>) src(%arg5 : memref<632x128xf32, #tpu.memory_space<hbm>>) dst(%dma_wait3A_42 : memref<632x128xf32, #tpu.memory_space<vmem_shared>>)
      tpu.yield
    }) : () -> ()
    %dma_start3A = arith.constant 0 : i32
    %dma_start3A_3 = arith.constant 0 : i32
    %dma_start3A_4 = tpu.memref_slice %arg3[%add3A, %dma_start3A, %dma_start3A_3] : memref<32x81x128xi32, #tpu.memory_space<hbm>> -> memref<1x81x128xi32, #tpu.memory_space<hbm>>
    %dma_start3A_5 = tpu.memref_squeeze %dma_start3A_4 : memref<1x81x128xi32, #tpu.memory_space<hbm>> -> memref<81x128xi32, #tpu.memory_space<hbm>>
    %dma_start3A_6 = arith.constant 0 : i32
    %dma_start3A_7 = arith.constant 0 : i32
    %dma_start3A_8 = tpu.memref_slice %arg3[%add3A, %dma_start3A_6, %dma_start3A_7] : memref<32x81x128xi32, #tpu.memory_space<hbm>> -> memref<1x81x128xi32, #tpu.memory_space<hbm>>
    %dma_start3A_9 = tpu.memref_squeeze %dma_start3A_8 : memref<1x81x128xi32, #tpu.memory_space<hbm>> -> memref<81x128xi32, #tpu.memory_space<hbm>>
    tpu.enqueue_dma source(%dma_start3A_9 : memref<81x128xi32, #tpu.memory_space<hbm>>) target(%arg7 : memref<81x128xi32, #tpu.memory_space<vmem>>) target_semaphore(%arg11 : memref<!tpu.dma_semaphore, #tpu.memory_space<semaphore_mem>>)
    %dma_wait3A = arith.constant 0 : i32
    %dma_wait3A_10 = arith.constant 0 : i32
    %dma_wait3A_11 = tpu.memref_slice %arg3[%add3A, %dma_wait3A, %dma_wait3A_10] : memref<32x81x128xi32, #tpu.memory_space<hbm>> -> memref<1x81x128xi32, #tpu.memory_space<hbm>>
    %dma_wait3A_12 = tpu.memref_squeeze %dma_wait3A_11 : memref<1x81x128xi32, #tpu.memory_space<hbm>> -> memref<81x128xi32, #tpu.memory_space<hbm>>
    %dma_wait3A_13 = arith.constant 0 : i32
    %dma_wait3A_14 = arith.constant 0 : i32
    %dma_wait3A_15 = tpu.memref_slice %arg3[%add3A, %dma_wait3A_13, %dma_wait3A_14] : memref<32x81x128xi32, #tpu.memory_space<hbm>> -> memref<1x81x128xi32, #tpu.memory_space<hbm>>
    %dma_wait3A_16 = tpu.memref_squeeze %dma_wait3A_15 : memref<1x81x128xi32, #tpu.memory_space<hbm>> -> memref<81x128xi32, #tpu.memory_space<hbm>>
    tpu.wait_dma2 semaphore(%arg11 : memref<!tpu.dma_semaphore, #tpu.memory_space<semaphore_mem>>) src(%dma_wait3A_16 : memref<81x128xi32, #tpu.memory_space<hbm>>) dst(%arg7 : memref<81x128xi32, #tpu.memory_space<vmem>>)
    %dma_start3A_17 = arith.constant 0 : i32
    %dma_start3A_18 = arith.constant 0 : i32
    %dma_start3A_19 = tpu.memref_slice %arg4[%add3A, %dma_start3A_17, %dma_start3A_18] : memref<32x81x128xi32, #tpu.memory_space<hbm>> -> memref<1x81x128xi32, #tpu.memory_space<hbm>>
    %dma_start3A_20 = tpu.memref_squeeze %dma_start3A_19 : memref<1x81x128xi32, #tpu.memory_space<hbm>> -> memref<81x128xi32, #tpu.memory_space<hbm>>
    %dma_start3A_21 = arith.constant 0 : i32
    %dma_start3A_22 = arith.constant 0 : i32
    %dma_start3A_23 = tpu.memref_slice %arg4[%add3A, %dma_start3A_21, %dma_start3A_22] : memref<32x81x128xi32, #tpu.memory_space<hbm>> -> memref<1x81x128xi32, #tpu.memory_space<hbm>>
    %dma_start3A_24 = tpu.memref_squeeze %dma_start3A_23 : memref<1x81x128xi32, #tpu.memory_space<hbm>> -> memref<81x128xi32, #tpu.memory_space<hbm>>
    tpu.enqueue_dma source(%dma_start3A_24 : memref<81x128xi32, #tpu.memory_space<hbm>>) target(%arg8 : memref<81x128xi32, #tpu.memory_space<vmem>>) target_semaphore(%arg11 : memref<!tpu.dma_semaphore, #tpu.memory_space<semaphore_mem>>)
    %dma_wait3A_25 = arith.constant 0 : i32
    %dma_wait3A_26 = arith.constant 0 : i32
    %dma_wait3A_27 = tpu.memref_slice %arg4[%add3A, %dma_wait3A_25, %dma_wait3A_26] : memref<32x81x128xi32, #tpu.memory_space<hbm>> -> memref<1x81x128xi32, #tpu.memory_space<hbm>>
    %dma_wait3A_28 = tpu.memref_squeeze %dma_wait3A_27 : memref<1x81x128xi32, #tpu.memory_space<hbm>> -> memref<81x128xi32, #tpu.memory_space<hbm>>
    %dma_wait3A_29 = arith.constant 0 : i32
    %dma_wait3A_30 = arith.constant 0 : i32
    %dma_wait3A_31 = tpu.memref_slice %arg4[%add3A, %dma_wait3A_29, %dma_wait3A_30] : memref<32x81x128xi32, #tpu.memory_space<hbm>> -> memref<1x81x128xi32, #tpu.memory_space<hbm>>
    %dma_wait3A_32 = tpu.memref_squeeze %dma_wait3A_31 : memref<1x81x128xi32, #tpu.memory_space<hbm>> -> memref<81x128xi32, #tpu.memory_space<hbm>>
    tpu.wait_dma2 semaphore(%arg11 : memref<!tpu.dma_semaphore, #tpu.memory_space<semaphore_mem>>) src(%dma_wait3A_32 : memref<81x128xi32, #tpu.memory_space<hbm>>) dst(%arg8 : memref<81x128xi32, #tpu.memory_space<vmem>>)
    %barrier3A = arith.constant 0 : index
    tpu.barrier barrier_id(%barrier3A)
    %scan3A = arith.constant 0 : i32
    %scan3A_33 = arith.constant 0 : i32
    %scan3A_34 = arith.constant 81 : i32
    %scan3A_35 = arith.addi %scan3A_33, %scan3A_34 : i32
    %scan3A_36 = arith.constant 1 : i32
    scf.for %scan3A_39 = %scan3A_33 to %scan3A_35 step %scan3A_36  : i32 {
      %dma_start3A_40 = arith.constant 0 : i32
      %dma_start3A_41 = tpu.memref_slice %arg7[%scan3A_39, %dma_start3A_40] : memref<81x128xi32, #tpu.memory_space<vmem>> -> memref<1x128xi32, #tpu.memory_space<vmem>>
      %dma_start3A_42 = tpu.memref_squeeze %dma_start3A_41 : memref<1x128xi32, #tpu.memory_space<vmem>> -> memref<128xi32, #tpu.memory_space<vmem>>
      %dma_start3A_43 = arith.constant 0 : i32
      %dma_start3A_44 = arith.constant 0 : i32
      %dma_start3A_45 = tpu.memref_slice %arg2[%dma_start3A_43, %dma_start3A_44] : memref<10112x128xf32, #tpu.memory_space<hbm>> -> memref<10112x128xf32, #tpu.memory_space<hbm>>
      tpu.enqueue_indirect_dma source(%dma_start3A_45 : memref<10112x128xf32, #tpu.memory_space<hbm>>) target(%arg9 : memref<128x128xf32, #tpu.memory_space<vmem>>) offsets(%dma_start3A_42 : memref<128xi32, #tpu.memory_space<vmem>>) semaphore(%arg11 : memref<!tpu.dma_semaphore, #tpu.memory_space<semaphore_mem>>)
      %dma_wait3A_46 = arith.constant 0 : i32
      %dma_wait3A_47 = tpu.memref_slice %arg7[%scan3A_39, %dma_wait3A_46] : memref<81x128xi32, #tpu.memory_space<vmem>> -> memref<1x128xi32, #tpu.memory_space<vmem>>
      %dma_wait3A_48 = tpu.memref_squeeze %dma_wait3A_47 : memref<1x128xi32, #tpu.memory_space<vmem>> -> memref<128xi32, #tpu.memory_space<vmem>>
      %dma_wait3A_49 = arith.constant 0 : i32
      %dma_wait3A_50 = arith.constant 0 : i32
      %dma_wait3A_51 = tpu.memref_slice %arg2[%dma_wait3A_49, %dma_wait3A_50] : memref<10112x128xf32, #tpu.memory_space<hbm>> -> memref<10112x128xf32, #tpu.memory_space<hbm>>
      tpu.wait_indirect_dma semaphore(%arg11 : memref<!tpu.dma_semaphore, #tpu.memory_space<semaphore_mem>>) src(%dma_wait3A_51 : memref<10112x128xf32, #tpu.memory_space<hbm>>) dst(%arg9 : memref<128x128xf32, #tpu.memory_space<vmem>>)
      "tpu.region"() ({
        %run_scoped3A = tpu.sem_alloc : memref<!tpu.dma_semaphore, #tpu.memory_space<semaphore_mem>>
        %dma_start3A_52 = arith.constant 0 : i32
        %dma_start3A_53 = tpu.memref_slice %arg8[%scan3A_39, %dma_start3A_52] : memref<81x128xi32, #tpu.memory_space<vmem>> -> memref<1x128xi32, #tpu.memory_space<vmem>>
        %dma_start3A_54 = tpu.memref_squeeze %dma_start3A_53 : memref<1x128xi32, #tpu.memory_space<vmem>> -> memref<128xi32, #tpu.memory_space<vmem>>
        %dma_start3A_55 = arith.constant 0 : i32
        %dma_start3A_56 = arith.constant 0 : i32
        %dma_start3A_57 = tpu.memref_slice %arg10[%dma_start3A_55, %dma_start3A_56] : memref<10112x128xf32, #tpu.memory_space<vmem_shared>> -> memref<10112x128xf32, #tpu.memory_space<vmem_shared>>
        tpu.enqueue_indirect_dma source(%arg9 : memref<128x128xf32, #tpu.memory_space<vmem>>) target(%dma_start3A_57 : memref<10112x128xf32, #tpu.memory_space<vmem_shared>>) offsets(%dma_start3A_54 : memref<128xi32, #tpu.memory_space<vmem>>) semaphore(%run_scoped3A : memref<!tpu.dma_semaphore, #tpu.memory_space<semaphore_mem>>) {add = true}
        %dma_wait3A_58 = arith.constant 0 : i32
        %dma_wait3A_59 = tpu.memref_slice %arg8[%scan3A_39, %dma_wait3A_58] : memref<81x128xi32, #tpu.memory_space<vmem>> -> memref<1x128xi32, #tpu.memory_space<vmem>>
        %dma_wait3A_60 = tpu.memref_squeeze %dma_wait3A_59 : memref<1x128xi32, #tpu.memory_space<vmem>> -> memref<128xi32, #tpu.memory_space<vmem>>
        %dma_wait3A_61 = arith.constant 0 : i32
        %dma_wait3A_62 = arith.constant 0 : i32
        %dma_wait3A_63 = tpu.memref_slice %arg10[%dma_wait3A_61, %dma_wait3A_62] : memref<10112x128xf32, #tpu.memory_space<vmem_shared>> -> memref<10112x128xf32, #tpu.memory_space<vmem_shared>>
        tpu.wait_indirect_dma semaphore(%run_scoped3A : memref<!tpu.dma_semaphore, #tpu.memory_space<semaphore_mem>>) src(%arg9 : memref<128x128xf32, #tpu.memory_space<vmem>>) dst(%dma_wait3A_63 : memref<10112x128xf32, #tpu.memory_space<vmem_shared>>)
        tpu.yield
      }) : () -> ()
    }
    %scan3A_37 = arith.constant 81 : i32
    %barrier3A_38 = arith.constant 0 : index
    tpu.barrier barrier_id(%barrier3A_38)
    "tpu.region"() ({
      %run_scoped3A = tpu.sem_alloc : memref<!tpu.dma_semaphore, #tpu.memory_space<semaphore_mem>>
      %dma_start3A_39 = arith.constant 0 : i32
      %dma_start3A_40 = arith.constant 0 : i32
      %dma_start3A_41 = tpu.memref_slice %arg6[%arg0, %dma_start3A_39, %dma_start3A_40] : memref<2x10112x128xf32, #tpu.memory_space<hbm>> -> memref<1x10112x128xf32, #tpu.memory_space<hbm>>
      %dma_start3A_42 = tpu.memref_squeeze %dma_start3A_41 : memref<1x10112x128xf32, #tpu.memory_space<hbm>> -> memref<10112x128xf32, #tpu.memory_space<hbm>>
      %dma_start3A_43 = arith.constant 0 : i32
      %dma_start3A_44 = tpu.memref_slice %dma_start3A_42[%mul3A_2, %dma_start3A_43] : memref<10112x128xf32, #tpu.memory_space<hbm>> -> memref<632x128xf32, #tpu.memory_space<hbm>>
      %dma_start3A_45 = arith.constant 0 : i32
      %dma_start3A_46 = tpu.memref_slice %arg10[%mul3A_2, %dma_start3A_45] : memref<10112x128xf32, #tpu.memory_space<vmem_shared>> -> memref<632x128xf32, #tpu.memory_space<vmem_shared>>
      tpu.enqueue_dma source(%dma_start3A_46 : memref<632x128xf32, #tpu.memory_space<vmem_shared>>) target(%dma_start3A_44 : memref<632x128xf32, #tpu.memory_space<hbm>>) target_semaphore(%run_scoped3A : memref<!tpu.dma_semaphore, #tpu.memory_space<semaphore_mem>>)
      %dma_wait3A_47 = arith.constant 0 : i32
      %dma_wait3A_48 = arith.constant 0 : i32
      %dma_wait3A_49 = tpu.memref_slice %arg6[%arg0, %dma_wait3A_47, %dma_wait3A_48] : memref<2x10112x128xf32, #tpu.memory_space<hbm>> -> memref<1x10112x128xf32, #tpu.memory_space<hbm>>
      %dma_wait3A_50 = tpu.memref_squeeze %dma_wait3A_49 : memref<1x10112x128xf32, #tpu.memory_space<hbm>> -> memref<10112x128xf32, #tpu.memory_space<hbm>>
      %dma_wait3A_51 = arith.constant 0 : i32
      %dma_wait3A_52 = tpu.memref_slice %dma_wait3A_50[%mul3A_2, %dma_wait3A_51] : memref<10112x128xf32, #tpu.memory_space<hbm>> -> memref<632x128xf32, #tpu.memory_space<hbm>>
      %dma_wait3A_53 = arith.constant 0 : i32
      %dma_wait3A_54 = tpu.memref_slice %arg10[%mul3A_2, %dma_wait3A_53] : memref<10112x128xf32, #tpu.memory_space<vmem_shared>> -> memref<632x128xf32, #tpu.memory_space<vmem_shared>>
      tpu.wait_dma2 semaphore(%run_scoped3A : memref<!tpu.dma_semaphore, #tpu.memory_space<semaphore_mem>>) src(%dma_wait3A_54 : memref<632x128xf32, #tpu.memory_space<vmem_shared>>) dst(%dma_wait3A_52 : memref<632x128xf32, #tpu.memory_space<hbm>>)
      tpu.yield
    }) : () -> ()
    return
  }
}

#map = affine_map<(d0, d1) -> (0, 0)>
#map1 = affine_map<(d0, d1) -> (0, 0, 0)>
module attributes {stable_mosaic.version = 14 : i64} {
  func.func @_sc_spmm_body(%arg0: i32, %arg1: i32, %arg2: memref<10112x128xf32, #tpu.memory_space<hbm>>, %arg3: memref<32x81x128xi32, #tpu.memory_space<hbm>>, %arg4: memref<32x81x128xi32, #tpu.memory_space<hbm>>, %arg5: memref<632x128xf32, #tpu.memory_space<hbm>>, %arg6: memref<2x10112x128xf32, #tpu.memory_space<hbm>>, %arg7: memref<81x128xi32, #tpu.memory_space<vmem>>, %arg8: memref<81x128xi32, #tpu.memory_space<vmem>>, %arg9: memref<128x128xf32, #tpu.memory_space<vmem>>, %arg10: memref<10112x128xf32, #tpu.memory_space<vmem_shared>>, %arg11: memref<!tpu.dma_semaphore, #tpu.memory_space<semaphore_mem>>) attributes {dimension_semantics = [#tpu.dimension_semantics<core_parallel>, #tpu.dimension_semantics<subcore_parallel>], iteration_bounds = array<i64: 2, 16>, scalar_prefetch = 0 : i64, scratch_operands = 5 : i64, tpu.core_type = #tpu.core_type<sc_vector_subcore>, window_params = [{transform_indices = #map}, {transform_indices = #map1}, {transform_indices = #map1}, {transform_indices = #map}, {transform_indices = #map1}]} {
    %mul3A = arith.constant 16 : i32
    %mul3A_0 = arith.muli %arg0, %mul3A : i32
    %add3A = arith.addi %mul3A_0, %arg1 : i32
    %mul3A_1 = arith.constant 632 : i32
    %mul3A_2 = arith.muli %arg1, %mul3A_1 : i32
    "tpu.region"() ({
      %run_scoped3A = tpu.sem_alloc : memref<!tpu.dma_semaphore, #tpu.memory_space<semaphore_mem>>
      %dma_start3A_39 = arith.constant 0 : i32
      %dma_start3A_40 = tpu.memref_slice %arg10[%mul3A_2, %dma_start3A_39] : memref<10112x128xf32, #tpu.memory_space<vmem_shared>> -> memref<632x128xf32, #tpu.memory_space<vmem_shared>>
      tpu.enqueue_dma source(%arg5 : memref<632x128xf32, #tpu.memory_space<hbm>>) target(%dma_start3A_40 : memref<632x128xf32, #tpu.memory_space<vmem_shared>>) target_semaphore(%run_scoped3A : memref<!tpu.dma_semaphore, #tpu.memory_space<semaphore_mem>>)
      %dma_wait3A_41 = arith.constant 0 : i32
      %dma_wait3A_42 = tpu.memref_slice %arg10[%mul3A_2, %dma_wait3A_41] : memref<10112x128xf32, #tpu.memory_space<vmem_shared>> -> memref<632x128xf32, #tpu.memory_space<vmem_shared>>
      tpu.wait_dma2 semaphore(%run_scoped3A : memref<!tpu.dma_semaphore, #tpu.memory_space<semaphore_mem>>) src(%arg5 : memref<632x128xf32, #tpu.memory_space<hbm>>) dst(%dma_wait3A_42 : memref<632x128xf32, #tpu.memory_space<vmem_shared>>)
      tpu.yield
    }) : () -> ()
    %dma_start3A = arith.constant 0 : i32
    %dma_start3A_3 = arith.constant 0 : i32
    %dma_start3A_4 = tpu.memref_slice %arg3[%add3A, %dma_start3A, %dma_start3A_3] : memref<32x81x128xi32, #tpu.memory_space<hbm>> -> memref<1x81x128xi32, #tpu.memory_space<hbm>>
    %dma_start3A_5 = tpu.memref_squeeze %dma_start3A_4 : memref<1x81x128xi32, #tpu.memory_space<hbm>> -> memref<81x128xi32, #tpu.memory_space<hbm>>
    %dma_start3A_6 = arith.constant 0 : i32
    %dma_start3A_7 = arith.constant 0 : i32
    %dma_start3A_8 = tpu.memref_slice %arg3[%add3A, %dma_start3A_6, %dma_start3A_7] : memref<32x81x128xi32, #tpu.memory_space<hbm>> -> memref<1x81x128xi32, #tpu.memory_space<hbm>>
    %dma_start3A_9 = tpu.memref_squeeze %dma_start3A_8 : memref<1x81x128xi32, #tpu.memory_space<hbm>> -> memref<81x128xi32, #tpu.memory_space<hbm>>
    tpu.enqueue_dma source(%dma_start3A_9 : memref<81x128xi32, #tpu.memory_space<hbm>>) target(%arg7 : memref<81x128xi32, #tpu.memory_space<vmem>>) target_semaphore(%arg11 : memref<!tpu.dma_semaphore, #tpu.memory_space<semaphore_mem>>)
    %dma_wait3A = arith.constant 0 : i32
    %dma_wait3A_10 = arith.constant 0 : i32
    %dma_wait3A_11 = tpu.memref_slice %arg3[%add3A, %dma_wait3A, %dma_wait3A_10] : memref<32x81x128xi32, #tpu.memory_space<hbm>> -> memref<1x81x128xi32, #tpu.memory_space<hbm>>
    %dma_wait3A_12 = tpu.memref_squeeze %dma_wait3A_11 : memref<1x81x128xi32, #tpu.memory_space<hbm>> -> memref<81x128xi32, #tpu.memory_space<hbm>>
    %dma_wait3A_13 = arith.constant 0 : i32
    %dma_wait3A_14 = arith.constant 0 : i32
    %dma_wait3A_15 = tpu.memref_slice %arg3[%add3A, %dma_wait3A_13, %dma_wait3A_14] : memref<32x81x128xi32, #tpu.memory_space<hbm>> -> memref<1x81x128xi32, #tpu.memory_space<hbm>>
    %dma_wait3A_16 = tpu.memref_squeeze %dma_wait3A_15 : memref<1x81x128xi32, #tpu.memory_space<hbm>> -> memref<81x128xi32, #tpu.memory_space<hbm>>
    tpu.wait_dma2 semaphore(%arg11 : memref<!tpu.dma_semaphore, #tpu.memory_space<semaphore_mem>>) src(%dma_wait3A_16 : memref<81x128xi32, #tpu.memory_space<hbm>>) dst(%arg7 : memref<81x128xi32, #tpu.memory_space<vmem>>)
    %dma_start3A_17 = arith.constant 0 : i32
    %dma_start3A_18 = arith.constant 0 : i32
    %dma_start3A_19 = tpu.memref_slice %arg4[%add3A, %dma_start3A_17, %dma_start3A_18] : memref<32x81x128xi32, #tpu.memory_space<hbm>> -> memref<1x81x128xi32, #tpu.memory_space<hbm>>
    %dma_start3A_20 = tpu.memref_squeeze %dma_start3A_19 : memref<1x81x128xi32, #tpu.memory_space<hbm>> -> memref<81x128xi32, #tpu.memory_space<hbm>>
    %dma_start3A_21 = arith.constant 0 : i32
    %dma_start3A_22 = arith.constant 0 : i32
    %dma_start3A_23 = tpu.memref_slice %arg4[%add3A, %dma_start3A_21, %dma_start3A_22] : memref<32x81x128xi32, #tpu.memory_space<hbm>> -> memref<1x81x128xi32, #tpu.memory_space<hbm>>
    %dma_start3A_24 = tpu.memref_squeeze %dma_start3A_23 : memref<1x81x128xi32, #tpu.memory_space<hbm>> -> memref<81x128xi32, #tpu.memory_space<hbm>>
    tpu.enqueue_dma source(%dma_start3A_24 : memref<81x128xi32, #tpu.memory_space<hbm>>) target(%arg8 : memref<81x128xi32, #tpu.memory_space<vmem>>) target_semaphore(%arg11 : memref<!tpu.dma_semaphore, #tpu.memory_space<semaphore_mem>>)
    %dma_wait3A_25 = arith.constant 0 : i32
    %dma_wait3A_26 = arith.constant 0 : i32
    %dma_wait3A_27 = tpu.memref_slice %arg4[%add3A, %dma_wait3A_25, %dma_wait3A_26] : memref<32x81x128xi32, #tpu.memory_space<hbm>> -> memref<1x81x128xi32, #tpu.memory_space<hbm>>
    %dma_wait3A_28 = tpu.memref_squeeze %dma_wait3A_27 : memref<1x81x128xi32, #tpu.memory_space<hbm>> -> memref<81x128xi32, #tpu.memory_space<hbm>>
    %dma_wait3A_29 = arith.constant 0 : i32
    %dma_wait3A_30 = arith.constant 0 : i32
    %dma_wait3A_31 = tpu.memref_slice %arg4[%add3A, %dma_wait3A_29, %dma_wait3A_30] : memref<32x81x128xi32, #tpu.memory_space<hbm>> -> memref<1x81x128xi32, #tpu.memory_space<hbm>>
    %dma_wait3A_32 = tpu.memref_squeeze %dma_wait3A_31 : memref<1x81x128xi32, #tpu.memory_space<hbm>> -> memref<81x128xi32, #tpu.memory_space<hbm>>
    tpu.wait_dma2 semaphore(%arg11 : memref<!tpu.dma_semaphore, #tpu.memory_space<semaphore_mem>>) src(%dma_wait3A_32 : memref<81x128xi32, #tpu.memory_space<hbm>>) dst(%arg8 : memref<81x128xi32, #tpu.memory_space<vmem>>)
    %barrier3A = arith.constant 0 : index
    tpu.barrier barrier_id(%barrier3A)
    %scan3A = arith.constant 0 : i32
    %scan3A_33 = arith.constant 0 : i32
    %scan3A_34 = arith.constant 81 : i32
    %scan3A_35 = arith.addi %scan3A_33, %scan3A_34 : i32
    %scan3A_36 = arith.constant 1 : i32
    scf.for %scan3A_39 = %scan3A_33 to %scan3A_35 step %scan3A_36  : i32 {
      %dma_start3A_40 = arith.constant 0 : i32
      %dma_start3A_41 = tpu.memref_slice %arg7[%scan3A_39, %dma_start3A_40] : memref<81x128xi32, #tpu.memory_space<vmem>> -> memref<1x128xi32, #tpu.memory_space<vmem>>
      %dma_start3A_42 = tpu.memref_squeeze %dma_start3A_41 : memref<1x128xi32, #tpu.memory_space<vmem>> -> memref<128xi32, #tpu.memory_space<vmem>>
      %dma_start3A_43 = arith.constant 0 : i32
      %dma_start3A_44 = arith.constant 0 : i32
      %dma_start3A_45 = tpu.memref_slice %arg2[%dma_start3A_43, %dma_start3A_44] : memref<10112x128xf32, #tpu.memory_space<hbm>> -> memref<10112x128xf32, #tpu.memory_space<hbm>>
      tpu.enqueue_indirect_dma source(%dma_start3A_45 : memref<10112x128xf32, #tpu.memory_space<hbm>>) target(%arg9 : memref<128x128xf32, #tpu.memory_space<vmem>>) offsets(%dma_start3A_42 : memref<128xi32, #tpu.memory_space<vmem>>) semaphore(%arg11 : memref<!tpu.dma_semaphore, #tpu.memory_space<semaphore_mem>>)
      %dma_wait3A_46 = arith.constant 0 : i32
      %dma_wait3A_47 = tpu.memref_slice %arg7[%scan3A_39, %dma_wait3A_46] : memref<81x128xi32, #tpu.memory_space<vmem>> -> memref<1x128xi32, #tpu.memory_space<vmem>>
      %dma_wait3A_48 = tpu.memref_squeeze %dma_wait3A_47 : memref<1x128xi32, #tpu.memory_space<vmem>> -> memref<128xi32, #tpu.memory_space<vmem>>
      %dma_wait3A_49 = arith.constant 0 : i32
      %dma_wait3A_50 = arith.constant 0 : i32
      %dma_wait3A_51 = tpu.memref_slice %arg2[%dma_wait3A_49, %dma_wait3A_50] : memref<10112x128xf32, #tpu.memory_space<hbm>> -> memref<10112x128xf32, #tpu.memory_space<hbm>>
      tpu.wait_indirect_dma semaphore(%arg11 : memref<!tpu.dma_semaphore, #tpu.memory_space<semaphore_mem>>) src(%dma_wait3A_51 : memref<10112x128xf32, #tpu.memory_space<hbm>>) dst(%arg9 : memref<128x128xf32, #tpu.memory_space<vmem>>)
      "tpu.region"() ({
        %run_scoped3A = tpu.sem_alloc : memref<!tpu.dma_semaphore, #tpu.memory_space<semaphore_mem>>
        %dma_start3A_52 = arith.constant 0 : i32
        %dma_start3A_53 = tpu.memref_slice %arg8[%scan3A_39, %dma_start3A_52] : memref<81x128xi32, #tpu.memory_space<vmem>> -> memref<1x128xi32, #tpu.memory_space<vmem>>
        %dma_start3A_54 = tpu.memref_squeeze %dma_start3A_53 : memref<1x128xi32, #tpu.memory_space<vmem>> -> memref<128xi32, #tpu.memory_space<vmem>>
        %dma_start3A_55 = arith.constant 0 : i32
        %dma_start3A_56 = arith.constant 0 : i32
        %dma_start3A_57 = tpu.memref_slice %arg10[%dma_start3A_55, %dma_start3A_56] : memref<10112x128xf32, #tpu.memory_space<vmem_shared>> -> memref<10112x128xf32, #tpu.memory_space<vmem_shared>>
        tpu.enqueue_indirect_dma source(%arg9 : memref<128x128xf32, #tpu.memory_space<vmem>>) target(%dma_start3A_57 : memref<10112x128xf32, #tpu.memory_space<vmem_shared>>) offsets(%dma_start3A_54 : memref<128xi32, #tpu.memory_space<vmem>>) semaphore(%run_scoped3A : memref<!tpu.dma_semaphore, #tpu.memory_space<semaphore_mem>>) {add = true}
        %dma_wait3A_58 = arith.constant 0 : i32
        %dma_wait3A_59 = tpu.memref_slice %arg8[%scan3A_39, %dma_wait3A_58] : memref<81x128xi32, #tpu.memory_space<vmem>> -> memref<1x128xi32, #tpu.memory_space<vmem>>
        %dma_wait3A_60 = tpu.memref_squeeze %dma_wait3A_59 : memref<1x128xi32, #tpu.memory_space<vmem>> -> memref<128xi32, #tpu.memory_space<vmem>>
        %dma_wait3A_61 = arith.constant 0 : i32
        %dma_wait3A_62 = arith.constant 0 : i32
        %dma_wait3A_63 = tpu.memref_slice %arg10[%dma_wait3A_61, %dma_wait3A_62] : memref<10112x128xf32, #tpu.memory_space<vmem_shared>> -> memref<10112x128xf32, #tpu.memory_space<vmem_shared>>
        tpu.wait_indirect_dma semaphore(%run_scoped3A : memref<!tpu.dma_semaphore, #tpu.memory_space<semaphore_mem>>) src(%arg9 : memref<128x128xf32, #tpu.memory_space<vmem>>) dst(%dma_wait3A_63 : memref<10112x128xf32, #tpu.memory_space<vmem_shared>>)
        tpu.yield
      }) : () -> ()
    }
    %scan3A_37 = arith.constant 81 : i32
    %barrier3A_38 = arith.constant 0 : index
    tpu.barrier barrier_id(%barrier3A_38)
    "tpu.region"() ({
      %run_scoped3A = tpu.sem_alloc : memref<!tpu.dma_semaphore, #tpu.memory_space<semaphore_mem>>
      %dma_start3A_39 = arith.constant 0 : i32
      %dma_start3A_40 = arith.constant 0 : i32
      %dma_start3A_41 = tpu.memref_slice %arg6[%arg0, %dma_start3A_39, %dma_start3A_40] : memref<2x10112x128xf32, #tpu.memory_space<hbm>> -> memref<1x10112x128xf32, #tpu.memory_space<hbm>>
      %dma_start3A_42 = tpu.memref_squeeze %dma_start3A_41 : memref<1x10112x128xf32, #tpu.memory_space<hbm>> -> memref<10112x128xf32, #tpu.memory_space<hbm>>
      %dma_start3A_43 = arith.constant 0 : i32
      %dma_start3A_44 = tpu.memref_slice %dma_start3A_42[%mul3A_2, %dma_start3A_43] : memref<10112x128xf32, #tpu.memory_space<hbm>> -> memref<632x128xf32, #tpu.memory_space<hbm>>
      %dma_start3A_45 = arith.constant 0 : i32
      %dma_start3A_46 = tpu.memref_slice %arg10[%mul3A_2, %dma_start3A_45] : memref<10112x128xf32, #tpu.memory_space<vmem_shared>> -> memref<632x128xf32, #tpu.memory_space<vmem_shared>>
      tpu.enqueue_dma source(%dma_start3A_46 : memref<632x128xf32, #tpu.memory_space<vmem_shared>>) target(%dma_start3A_44 : memref<632x128xf32, #tpu.memory_space<hbm>>) target_semaphore(%run_scoped3A : memref<!tpu.dma_semaphore, #tpu.memory_space<semaphore_mem>>)
      %dma_wait3A_47 = arith.constant 0 : i32
      %dma_wait3A_48 = arith.constant 0 : i32
      %dma_wait3A_49 = tpu.memref_slice %arg6[%arg0, %dma_wait3A_47, %dma_wait3A_48] : memref<2x10112x128xf32, #tpu.memory_space<hbm>> -> memref<1x10112x128xf32, #tpu.memory_space<hbm>>
      %dma_wait3A_50 = tpu.memref_squeeze %dma_wait3A_49 : memref<1x10112x128xf32, #tpu.memory_space<hbm>> -> memref<10112x128xf32, #tpu.memory_space<hbm>>
      %dma_wait3A_51 = arith.constant 0 : i32
      %dma_wait3A_52 = tpu.memref_slice %dma_wait3A_50[%mul3A_2, %dma_wait3A_51] : memref<10112x128xf32, #tpu.memory_space<hbm>> -> memref<632x128xf32, #tpu.memory_space<hbm>>
      %dma_wait3A_53 = arith.constant 0 : i32
      %dma_wait3A_54 = tpu.memref_slice %arg10[%mul3A_2, %dma_wait3A_53] : memref<10112x128xf32, #tpu.memory_space<vmem_shared>> -> memref<632x128xf32, #tpu.memory_space<vmem_shared>>
      tpu.wait_dma2 semaphore(%run_scoped3A : memref<!tpu.dma_semaphore, #tpu.memory_space<semaphore_mem>>) src(%dma_wait3A_54 : memref<632x128xf32, #tpu.memory_space<vmem_shared>>) dst(%dma_wait3A_52 : memref<632x128xf32, #tpu.memory_space<hbm>>)
      tpu.yield
    }) : () -> ()
    return
  }
}

module attributes {stable_mosaic.version = 14 : i64} {
  func.func @_tc_head_body(%arg0: memref<2x10112x128xf32, #tpu.memory_space<vmem>>, %arg1: memref<10112x128xf32, #tpu.memory_space<vmem>>, %arg2: memref<128x128xf32, #tpu.memory_space<vmem>>, %arg3: memref<10112x1xf32, #tpu.memory_space<vmem>>, %arg4: memref<10112x128xf32, #tpu.memory_space<vmem>>) attributes {dimension_semantics = [], scalar_prefetch = 0 : i64, scratch_operands = 0 : i64, tpu.core_type = #tpu.core_type<tc>} {
    %get3A = arith.constant 0 : index
    %get3A_0 = arith.constant 0 : index
    %get3A_1 = arith.constant 0 : index
    %get3A_2 = vector.load %arg0[%get3A, %get3A_0, %get3A_1] : memref<2x10112x128xf32, #tpu.memory_space<vmem>>, vector<1x10112x1xf32>
    %get3A_3 = vector.shape_cast %get3A_2 : vector<1x10112x1xf32> to vector<10112x1xf32>
    %get3A_4 = arith.constant 1 : index
    %get3A_5 = arith.constant 0 : index
    %get3A_6 = arith.constant 0 : index
    %get3A_7 = vector.load %arg0[%get3A_4, %get3A_5, %get3A_6] : memref<2x10112x128xf32, #tpu.memory_space<vmem>>, vector<1x10112x1xf32>
    %get3A_8 = vector.shape_cast %get3A_7 : vector<1x10112x1xf32> to vector<10112x1xf32>
    %add3A = arith.addf %get3A_3, %get3A_8 : vector<10112x1xf32>
    %iota3A = tpu.iota {dimensions = array<i32: 0>} : vector<10112x1xi32>
    %lt3A = arith.constant 10000 : i32
    %lt3A_9 = vector.broadcast %lt3A : i32 to vector<10112x1xi32>
    %lt3A_10 = arith.cmpi slt, %iota3A, %lt3A_9 : vector<10112x1xi32>
    %max3A = arith.constant 1.000000e+00 : f32
    %max3A_11 = vector.broadcast %max3A : f32 to vector<10112x1xf32>
    %max3A_12 = arith.maximumf %add3A, %max3A_11 : vector<10112x1xf32>
    %rsqrt3A = math.rsqrt %max3A_12 : vector<10112x1xf32>
    %jit3A = arith.constant 0.000000e+00 : f32
    %broadcast_in_dim3A = vector.broadcast %jit3A : f32 to vector<10112x1xf32>
    %select_n3A = arith.select %lt3A_10, %rsqrt3A, %broadcast_in_dim3A : vector<10112x1xi1>, vector<10112x1xf32>
    %swap3A = arith.constant 0 : index
    %swap3A_13 = arith.constant 0 : index
    %swap3A_14 = vector.load %arg3[%swap3A, %swap3A_13] : memref<10112x1xf32, #tpu.memory_space<vmem>>, vector<10112x1xf32>
    tpu.vector_store %arg3[%swap3A, %swap3A_13], %select_n3A {strides = array<i32>} : memref<10112x1xf32, #tpu.memory_space<vmem>>, vector<10112x1xf32>,
    %get3A_15 = arith.constant 0 : index
    %get3A_16 = arith.constant 0 : index
    %get3A_17 = vector.load %arg1[%get3A_15, %get3A_16] : memref<10112x128xf32, #tpu.memory_space<vmem>>, vector<10112x128xf32>
    %get3A_18 = arith.constant 0 : index
    %get3A_19 = arith.constant 0 : index
    %get3A_20 = vector.load %arg2[%get3A_18, %get3A_19] : memref<128x128xf32, #tpu.memory_space<vmem>>, vector<128x128xf32>
    %dot_general3A = arith.constant dense<0.000000e+00> : vector<10112x128xf32>
    %dot_general3A_21 = tpu.matmul %get3A_17, %get3A_20, %dot_general3A {dimension_numbers = #tpu.dot_dimension_numbers<[1], [0], [0], [1], [0, 0, 1, 1], [], []>, transpose_lhs_hint = false} : vector<10112x128xf32>, vector<128x128xf32>, vector<10112x128xf32> -> vector<10112x128xf32>
    %mul3A = vector.broadcast %select_n3A : vector<10112x1xf32> to vector<10112x128xf32>
    %mul3A_22 = arith.mulf %dot_general3A_21, %mul3A : vector<10112x128xf32>
    %swap3A_23 = arith.constant 0 : index
    %swap3A_24 = arith.constant 0 : index
    %swap3A_25 = vector.load %arg4[%swap3A_23, %swap3A_24] : memref<10112x128xf32, #tpu.memory_space<vmem>>, vector<10112x128xf32>
    tpu.vector_store %arg4[%swap3A_23, %swap3A_24], %mul3A_22 {strides = array<i32>} : memref<10112x128xf32, #tpu.memory_space<vmem>>, vector<10112x128xf32>,
    return
  }
}

module attributes {stable_mosaic.version = 14 : i64} {
  func.func @_tc_mid_body(%arg0: memref<2x10112x128xf32, #tpu.memory_space<vmem>>, %arg1: memref<10112x1xf32, #tpu.memory_space<vmem>>, %arg2: memref<1x128xf32, #tpu.memory_space<vmem>>, %arg3: memref<128x128xf32, #tpu.memory_space<vmem>>, %arg4: memref<10112x128xf32, #tpu.memory_space<vmem>>, %arg5: memref<10112x128xf32, #tpu.memory_space<vmem>>) attributes {dimension_semantics = [], scalar_prefetch = 0 : i64, scratch_operands = 0 : i64, tpu.core_type = #tpu.core_type<tc>} {
    %get3A = arith.constant 0 : index
    %get3A_0 = arith.constant 0 : index
    %get3A_1 = vector.load %arg1[%get3A, %get3A_0] : memref<10112x1xf32, #tpu.memory_space<vmem>>, vector<10112x1xf32>
    %get3A_2 = arith.constant 0 : index
    %get3A_3 = arith.constant 0 : index
    %get3A_4 = arith.constant 0 : index
    %get3A_5 = vector.load %arg0[%get3A_2, %get3A_3, %get3A_4] : memref<2x10112x128xf32, #tpu.memory_space<vmem>>, vector<1x10112x128xf32>
    %get3A_6 = vector.shape_cast %get3A_5 : vector<1x10112x128xf32> to vector<10112x128xf32>
    %get3A_7 = arith.constant 1 : index
    %get3A_8 = arith.constant 0 : index
    %get3A_9 = arith.constant 0 : index
    %get3A_10 = vector.load %arg0[%get3A_7, %get3A_8, %get3A_9] : memref<2x10112x128xf32, #tpu.memory_space<vmem>>, vector<1x10112x128xf32>
    %get3A_11 = vector.shape_cast %get3A_10 : vector<1x10112x128xf32> to vector<10112x128xf32>
    %add3A = arith.addf %get3A_6, %get3A_11 : vector<10112x128xf32>
    %mul3A = vector.broadcast %get3A_1 : vector<10112x1xf32> to vector<10112x128xf32>
    %mul3A_12 = arith.mulf %add3A, %mul3A : vector<10112x128xf32>
    %get3A_13 = arith.constant 0 : index
    %get3A_14 = arith.constant 0 : index
    %get3A_15 = vector.load %arg2[%get3A_13, %get3A_14] : memref<1x128xf32, #tpu.memory_space<vmem>>, vector<1x128xf32>
    %add3A_16 = vector.broadcast %get3A_15 : vector<1x128xf32> to vector<10112x128xf32>
    %add3A_17 = arith.addf %mul3A_12, %add3A_16 : vector<10112x128xf32>
    %max3A = arith.constant 0.000000e+00 : f32
    %max3A_18 = vector.broadcast %max3A : f32 to vector<10112x128xf32>
    %max3A_19 = arith.maximumf %add3A_17, %max3A_18 : vector<10112x128xf32>
    %swap3A = arith.constant 0 : index
    %swap3A_20 = arith.constant 0 : index
    %swap3A_21 = vector.load %arg4[%swap3A, %swap3A_20] : memref<10112x128xf32, #tpu.memory_space<vmem>>, vector<10112x128xf32>
    tpu.vector_store %arg4[%swap3A, %swap3A_20], %max3A_19 {strides = array<i32>} : memref<10112x128xf32, #tpu.memory_space<vmem>>, vector<10112x128xf32>,
    %get3A_22 = arith.constant 0 : index
    %get3A_23 = arith.constant 0 : index
    %get3A_24 = vector.load %arg3[%get3A_22, %get3A_23] : memref<128x128xf32, #tpu.memory_space<vmem>>, vector<128x128xf32>
    %dot_general3A = arith.constant dense<0.000000e+00> : vector<10112x128xf32>
    %dot_general3A_25 = tpu.matmul %max3A_19, %get3A_24, %dot_general3A {dimension_numbers = #tpu.dot_dimension_numbers<[1], [0], [0], [1], [0, 0, 1, 1], [], []>, transpose_lhs_hint = false} : vector<10112x128xf32>, vector<128x128xf32>, vector<10112x128xf32> -> vector<10112x128xf32>
    %mul3A_26 = vector.broadcast %get3A_1 : vector<10112x1xf32> to vector<10112x128xf32>
    %mul3A_27 = arith.mulf %dot_general3A_25, %mul3A_26 : vector<10112x128xf32>
    %swap3A_28 = arith.constant 0 : index
    %swap3A_29 = arith.constant 0 : index
    %swap3A_30 = vector.load %arg5[%swap3A_28, %swap3A_29] : memref<10112x128xf32, #tpu.memory_space<vmem>>, vector<10112x128xf32>
    tpu.vector_store %arg5[%swap3A_28, %swap3A_29], %mul3A_27 {strides = array<i32>} : memref<10112x128xf32, #tpu.memory_space<vmem>>, vector<10112x128xf32>,
    return
  }
}

module attributes {stable_mosaic.version = 14 : i64} {
  func.func @_tc_tail_body(%arg0: memref<2x10112x128xf32, #tpu.memory_space<vmem>>, %arg1: memref<10112x1xf32, #tpu.memory_space<vmem>>, %arg2: memref<1x128xf32, #tpu.memory_space<vmem>>, %arg3: memref<10112x128xf32, #tpu.memory_space<vmem>>, %arg4: memref<10112x128xf32, #tpu.memory_space<vmem>>, %arg5: memref<1x10112xf32, #tpu.memory_space<vmem>>, %arg6: memref<128x256xf32, #tpu.memory_space<vmem>>, %arg7: memref<1x256xf32, #tpu.memory_space<vmem>>, %arg8: memref<256x64xf32, #tpu.memory_space<vmem>>, %arg9: memref<1x64xf32, #tpu.memory_space<vmem>>, %arg10: memref<64x16xf32, #tpu.memory_space<vmem>>, %arg11: memref<1x16xf32, #tpu.memory_space<vmem>>, %arg12: memref<16x1xf32, #tpu.memory_space<vmem>>, %arg13: memref<1x1xf32, #tpu.memory_space<vmem>>, %arg14: memref<10x1xf32, #tpu.memory_space<vmem>>) attributes {dimension_semantics = [], scalar_prefetch = 0 : i64, scratch_operands = 0 : i64, tpu.core_type = #tpu.core_type<tc>} {
    %get3A = arith.constant 0 : index
    %get3A_0 = arith.constant 0 : index
    %get3A_1 = arith.constant 0 : index
    %get3A_2 = vector.load %arg0[%get3A, %get3A_0, %get3A_1] : memref<2x10112x128xf32, #tpu.memory_space<vmem>>, vector<1x10112x128xf32>
    %get3A_3 = vector.shape_cast %get3A_2 : vector<1x10112x128xf32> to vector<10112x128xf32>
    %get3A_4 = arith.constant 1 : index
    %get3A_5 = arith.constant 0 : index
    %get3A_6 = arith.constant 0 : index
    %get3A_7 = vector.load %arg0[%get3A_4, %get3A_5, %get3A_6] : memref<2x10112x128xf32, #tpu.memory_space<vmem>>, vector<1x10112x128xf32>
    %get3A_8 = vector.shape_cast %get3A_7 : vector<1x10112x128xf32> to vector<10112x128xf32>
    %add3A = arith.addf %get3A_3, %get3A_8 : vector<10112x128xf32>
    %get3A_9 = arith.constant 0 : index
    %get3A_10 = arith.constant 0 : index
    %get3A_11 = vector.load %arg1[%get3A_9, %get3A_10] : memref<10112x1xf32, #tpu.memory_space<vmem>>, vector<10112x1xf32>
    %mul3A = vector.broadcast %get3A_11 : vector<10112x1xf32> to vector<10112x128xf32>
    %mul3A_12 = arith.mulf %add3A, %mul3A : vector<10112x128xf32>
    %get3A_13 = arith.constant 0 : index
    %get3A_14 = arith.constant 0 : index
    %get3A_15 = vector.load %arg2[%get3A_13, %get3A_14] : memref<1x128xf32, #tpu.memory_space<vmem>>, vector<1x128xf32>
    %add3A_16 = vector.broadcast %get3A_15 : vector<1x128xf32> to vector<10112x128xf32>
    %add3A_17 = arith.addf %mul3A_12, %add3A_16 : vector<10112x128xf32>
    %max3A = arith.constant 0.000000e+00 : f32
    %max3A_18 = vector.broadcast %max3A : f32 to vector<10112x128xf32>
    %max3A_19 = arith.maximumf %add3A_17, %max3A_18 : vector<10112x128xf32>
    %get3A_20 = arith.constant 0 : index
    %get3A_21 = arith.constant 0 : index
    %get3A_22 = vector.load %arg3[%get3A_20, %get3A_21] : memref<10112x128xf32, #tpu.memory_space<vmem>>, vector<10112x128xf32>
    %get3A_23 = arith.constant 0 : index
    %get3A_24 = arith.constant 0 : index
    %get3A_25 = vector.load %arg4[%get3A_23, %get3A_24] : memref<10112x128xf32, #tpu.memory_space<vmem>>, vector<10112x128xf32>
    %add3A_26 = arith.addf %get3A_22, %get3A_25 : vector<10112x128xf32>
    %add3A_27 = arith.addf %add3A_26, %max3A_19 : vector<10112x128xf32>
    %iota3A = tpu.iota {dimensions = array<i32: 1>} : vector<10x10112xi32>
    %iota3A_28 = tpu.iota {dimensions = array<i32: 0>} : vector<10x10112xi32>
    %jit3A = arith.constant 1000 : i32
    %div3A = vector.broadcast %jit3A : i32 to vector<10x10112xi32>
    %div3A_29 = arith.divsi %iota3A, %div3A : vector<10x10112xi32>
    %sign3A = arith.constant 0 : i32
    %sign3A_30 = vector.broadcast %sign3A : i32 to vector<10x10112xi32>
    %sign3A_31 = arith.cmpi sgt, %iota3A, %sign3A_30 : vector<10x10112xi32>
    %sign3A_32 = arith.extui %sign3A_31 : vector<10x10112xi1> to vector<10x10112xi32>
    %sign3A_33 = arith.constant 0 : i32
    %sign3A_34 = vector.broadcast %sign3A_33 : i32 to vector<10x10112xi32>
    %sign3A_35 = arith.cmpi slt, %iota3A, %sign3A_34 : vector<10x10112xi32>
    %sign3A_36 = arith.extui %sign3A_35 : vector<10x10112xi1> to vector<10x10112xi32>
    %sign3A_37 = arith.subi %sign3A_32, %sign3A_36 : vector<10x10112xi32>
    %sign3A_38 = arith.constant 0 : i32
    %sign3A_39 = arith.cmpi sgt, %jit3A, %sign3A_38 : i32
    %sign3A_40 = arith.extui %sign3A_39 : i1 to i32
    %sign3A_41 = arith.constant 0 : i32
    %sign3A_42 = arith.cmpi slt, %jit3A, %sign3A_41 : i32
    %sign3A_43 = arith.extui %sign3A_42 : i1 to i32
    %sign3A_44 = arith.subi %sign3A_40, %sign3A_43 : i32
    %ne3A = vector.broadcast %sign3A_44 : i32 to vector<10x10112xi32>
    %ne3A_45 = arith.cmpi ne, %sign3A_37, %ne3A : vector<10x10112xi32>
    %rem3A = vector.broadcast %jit3A : i32 to vector<10x10112xi32>
    %rem3A_46 = arith.remsi %iota3A, %rem3A : vector<10x10112xi32>
    %ne3A_47 = arith.constant 0 : i32
    %ne3A_48 = vector.broadcast %ne3A_47 : i32 to vector<10x10112xi32>
    %ne3A_49 = arith.cmpi ne, %rem3A_46, %ne3A_48 : vector<10x10112xi32>
    %and3A = arith.andi %ne3A_45, %ne3A_49 : vector<10x10112xi1>
    %sub3A = arith.constant 1 : i32
    %sub3A_50 = vector.broadcast %sub3A : i32 to vector<10x10112xi32>
    %sub3A_51 = arith.subi %div3A_29, %sub3A_50 : vector<10x10112xi32>
    %select_n3A = arith.select %and3A, %sub3A_51, %div3A_29 : vector<10x10112xi1>, vector<10x10112xi32>
    %eq3A = arith.cmpi eq, %select_n3A, %iota3A_28 : vector<10x10112xi32>
    %get3A_52 = arith.constant 0 : index
    %get3A_53 = arith.constant 0 : index
    %get3A_54 = vector.load %arg5[%get3A_52, %get3A_53] : memref<1x10112xf32, #tpu.memory_space<vmem>>, vector<1x10112xf32>
    %broadcast_in_dim3A = vector.shape_cast %get3A_54 : vector<1x10112xf32> to vector<1x10112xf32>
    %broadcast_in_dim3A_55 = vector.broadcast %broadcast_in_dim3A : vector<1x10112xf32> to vector<10x10112xf32>
    %jit3A_56 = arith.constant 0.000000e+00 : f32
    %broadcast_in_dim3A_57 = vector.broadcast %jit3A_56 : f32 to vector<10x10112xf32>
    %select_n3A_58 = arith.select %eq3A, %broadcast_in_dim3A_55, %broadcast_in_dim3A_57 : vector<10x10112xi1>, vector<10x10112xf32>
    %dot_general3A = arith.constant dense<0.000000e+00> : vector<10x128xf32>
    %dot_general3A_59 = tpu.matmul %select_n3A_58, %add3A_27, %dot_general3A {dimension_numbers = #tpu.dot_dimension_numbers<[1], [0], [0], [1], [0, 0, 1, 1], [], []>, transpose_lhs_hint = false} : vector<10x10112xf32>, vector<10112x128xf32>, vector<10x128xf32> -> vector<10x128xf32>
    %get3A_60 = arith.constant 0 : index
    %get3A_61 = arith.constant 0 : index
    %get3A_62 = vector.load %arg6[%get3A_60, %get3A_61] : memref<128x256xf32, #tpu.memory_space<vmem>>, vector<128x256xf32>
    %dot_general3A_63 = arith.constant dense<0.000000e+00> : vector<10x256xf32>
    %dot_general3A_64 = tpu.matmul %dot_general3A_59, %get3A_62, %dot_general3A_63 {dimension_numbers = #tpu.dot_dimension_numbers<[1], [0], [0], [1], [0, 0, 1, 1], [], []>, transpose_lhs_hint = false} : vector<10x128xf32>, vector<128x256xf32>, vector<10x256xf32> -> vector<10x256xf32>
    %get3A_65 = arith.constant 0 : index
    %get3A_66 = arith.constant 0 : index
    %get3A_67 = vector.load %arg7[%get3A_65, %get3A_66] : memref<1x256xf32, #tpu.memory_space<vmem>>, vector<1x256xf32>
    %add3A_68 = vector.broadcast %get3A_67 : vector<1x256xf32> to vector<10x256xf32>
    %add3A_69 = arith.addf %dot_general3A_64, %add3A_68 : vector<10x256xf32>
    %max3A_70 = arith.constant 0.000000e+00 : f32
    %max3A_71 = vector.broadcast %max3A_70 : f32 to vector<10x256xf32>
    %max3A_72 = arith.maximumf %add3A_69, %max3A_71 : vector<10x256xf32>
    %get3A_73 = arith.constant 0 : index
    %get3A_74 = arith.constant 0 : index
    %get3A_75 = vector.load %arg8[%get3A_73, %get3A_74] : memref<256x64xf32, #tpu.memory_space<vmem>>, vector<256x64xf32>
    %dot_general3A_76 = arith.constant dense<0.000000e+00> : vector<10x64xf32>
    %dot_general3A_77 = tpu.matmul %max3A_72, %get3A_75, %dot_general3A_76 {dimension_numbers = #tpu.dot_dimension_numbers<[1], [0], [0], [1], [0, 0, 1, 1], [], []>, transpose_lhs_hint = false} : vector<10x256xf32>, vector<256x64xf32>, vector<10x64xf32> -> vector<10x64xf32>
    %get3A_78 = arith.constant 0 : index
    %get3A_79 = arith.constant 0 : index
    %get3A_80 = vector.load %arg9[%get3A_78, %get3A_79] : memref<1x64xf32, #tpu.memory_space<vmem>>, vector<1x64xf32>
    %add3A_81 = vector.broadcast %get3A_80 : vector<1x64xf32> to vector<10x64xf32>
    %add3A_82 = arith.addf %dot_general3A_77, %add3A_81 : vector<10x64xf32>
    %max3A_83 = arith.constant 0.000000e+00 : f32
    %max3A_84 = vector.broadcast %max3A_83 : f32 to vector<10x64xf32>
    %max3A_85 = arith.maximumf %add3A_82, %max3A_84 : vector<10x64xf32>
    %get3A_86 = arith.constant 0 : index
    %get3A_87 = arith.constant 0 : index
    %get3A_88 = vector.load %arg10[%get3A_86, %get3A_87] : memref<64x16xf32, #tpu.memory_space<vmem>>, vector<64x16xf32>
    %dot_general3A_89 = arith.constant dense<0.000000e+00> : vector<10x16xf32>
    %dot_general3A_90 = tpu.matmul %max3A_85, %get3A_88, %dot_general3A_89 {dimension_numbers = #tpu.dot_dimension_numbers<[1], [0], [0], [1], [0, 0, 1, 1], [], []>, transpose_lhs_hint = false} : vector<10x64xf32>, vector<64x16xf32>, vector<10x16xf32> -> vector<10x16xf32>
    %get3A_91 = arith.constant 0 : index
    %get3A_92 = arith.constant 0 : index
    %get3A_93 = vector.load %arg11[%get3A_91, %get3A_92] : memref<1x16xf32, #tpu.memory_space<vmem>>, vector<1x16xf32>
    %add3A_94 = vector.broadcast %get3A_93 : vector<1x16xf32> to vector<10x16xf32>
    %add3A_95 = arith.addf %dot_general3A_90, %add3A_94 : vector<10x16xf32>
    %max3A_96 = arith.constant 0.000000e+00 : f32
    %max3A_97 = vector.broadcast %max3A_96 : f32 to vector<10x16xf32>
    %max3A_98 = arith.maximumf %add3A_95, %max3A_97 : vector<10x16xf32>
    %get3A_99 = arith.constant 0 : index
    %get3A_100 = arith.constant 0 : index
    %get3A_101 = vector.load %arg12[%get3A_99, %get3A_100] : memref<16x1xf32, #tpu.memory_space<vmem>>, vector<16x1xf32>
    %dot_general3A_102 = arith.constant dense<0.000000e+00> : vector<10x1xf32>
    %dot_general3A_103 = tpu.matmul %max3A_98, %get3A_101, %dot_general3A_102 {dimension_numbers = #tpu.dot_dimension_numbers<[1], [0], [0], [1], [0, 0, 1, 1], [], []>, transpose_lhs_hint = false} : vector<10x16xf32>, vector<16x1xf32>, vector<10x1xf32> -> vector<10x1xf32>
    %get3A_104 = arith.constant 0 : index
    %get3A_105 = arith.constant 0 : index
    %get3A_106 = vector.load %arg13[%get3A_104, %get3A_105] : memref<1x1xf32, #tpu.memory_space<vmem>>, vector<1x1xf32>
    %add3A_107 = vector.broadcast %get3A_106 : vector<1x1xf32> to vector<10x1xf32>
    %add3A_108 = arith.addf %dot_general3A_103, %add3A_107 : vector<10x1xf32>
    %swap3A = arith.constant 0 : index
    %swap3A_109 = arith.constant 0 : index
    %swap3A_110 = vector.load %arg14[%swap3A, %swap3A_109] : memref<10x1xf32, #tpu.memory_space<vmem>>, vector<10x1xf32>
    tpu.vector_store %arg14[%swap3A, %swap3A_109], %add3A_108 {strides = array<i32>} : memref<10x1xf32, #tpu.memory_space<vmem>>, vector<10x1xf32>,
    return
  }
}

</mosaic_0001>

<sc_bundles>
// kernel: kernel.10.cloned.1.call-start
scs
__scs_entry_jumppad:
0x0: {  	(pc) =	sbr.rel $0x88, $3  }
0x1: {  	(tag) =	ssettag $0x0;
	lr =	simm.s32 $0x1  }
0x2: {  	[smem:$0x3F90] =	sst lr;
	_ =	strace $0xD0000000  }
0x3: {  	_ = 	snop  }
0x4: {  	_ = 	snop  }
0x5: {  	_ = 	snop  }
0x6: {  	_ = 	snop  }
0x7: {  	_ = 	snop  }
__scs_overlays_trampoline_lowered:
0x8: {  	[smem:$0x3F9F] =	sst s0  }
0x9: {  	[smem:$0x3FA0] =	sst s1  }
0xa: {  	[smem:$0x3FA1] =	sst s2  }
0xb: {  	[smem:$0x3FA2] =	sst s3  }
0xc: {  	[smem:$0x3FA3] =	sst s4  }
0xd: {  	[smem:$0x3FA4] =	sst s5  }
0xe: {  	[smem:$0x3FA5] =	sst s6  }
0xf: {  	[smem:$0x3FA6] =	sst s7  }
0x10: {  	[smem:$0x3FA7] =	sst s8  }
0x11: {  	[smem:$0x3FA8] =	sst s9;
	s0 =	simm.s32 @!p0 $0x0  }
0x12: {  	s1 =	sld [smem:$0x3F8E];
	s0 =	simm.s32 @p0 $0x1  }
0x13: {  	[smem:$0x3FA9] =	sst s0;
	s0 =	simm.s32 @!p1 $0x0  }
0x14: {  	s2 =	sld [smem:$0x3F8D];
	s0 =	simm.s32 @p1 $0x1  }
0x15: {  	[smem:$0x3FAA] =	sst s0;
	s0 =	simm.s32 @!p2 $0x0  }
0x16: {  	s3 =	sld [smem:$0x3FDB];
	s0 =	simm.s32 @p2 $0x1  }
0x17: {  	s4 =	simm.s32 $0x1BF5;
	[smem:$0x3FAC] =	sst s0  }
0x18: {  	s0 =	sld [smem:$0x3F8F];
	_ =	swait.ge [sflag:s4], $0x0  }
0x19: {  	s7 =	sld [smem:$0x3F90]  }
0x1a: {  	s8 =	sadd.s32 $0xFFFFE003, lr  }
0x1b: {  	s9 =	sadd.s32 $0xFFFFFEF7, lr;
	s5 =	simm.s32 $0xFFFFFFFF;
	p2 =	slt.u32 s8, $0xFFFFF086  }
0x1c: {  	p1 =	slt.u32 s9, $0xF7A;
	s5 =	simm.s32 @!p2 $0x0  }
0x1d: {  	s5 =	simm.s32 @p1 $0x1;
	p0 =	seq.s32 s7, s2  }
0x1e: {  	s7 =	smul.u32 @!p0 $0xF7A, s2;
	p2 =	seq.s32 @!p0 s5, $0x0  }
0x1f: {  	s9 =	smul.u32 $0xF7A, s1;
	s8 =	simm.s32 @!p0 $0x1BF5;
	p2 =	por !p2, p0  }
0x20: {  	[sflag:s8] =	ssyncset.s32 @!p0 $0xFFFFF086;
	s6 =	sadd.s32 @!p0 s3, s7;
	s7 =	simm.s32 @!p0 $0x108  }
0x21: {  	s3 =	sadd.s32 s3, s9;
	s6 =	sadd.s32 @!p0 $0x88, s6;
	s7 =	simm.s32 @p2 $0x1082  }
0x22: {  	[simem:s7], [sflag:s8] =	dma.local @!p0 [hbm:s6], $0xF7A  }
0x23: {  	s9 =	sor.u32 $0xD0000000, s2;
	s6 =	simm.s32 $0x108;
	_ =	swait.ge @!p0 [sflag:s8], $0x0  }
0x24: {  	s3 =	sadd.s32 $0x88, s3;
	s6 =	simm.s32 @!p1 $0x1082;
	[sflag:s4] =	ssyncset.s32 $0xFFFFF086  }
0x25: {  	[simem:s6], [sflag:s4] =	dma.local [hbm:s3], $0xF7A  }
0x26: {  	[smem:$0x3F90] =	sst s1;
	(tag) =	ssettag s2;
	_ =	strace s9  }
0x27: {  	s1 =	sld [smem:$0x3FA0]  }
0x28: {  	s2 =	sld [smem:$0x3FA1]  }
0x29: {  	s4 =	sld [smem:$0x3FA3]  }
0x2a: {  	p0 =	seq.s32 s5, $0x0;
	s5 =	sld [smem:$0x3FA4]  }
0x2b: {  	s6 =	sld [smem:$0x3FA5]  }
0x2c: {  	s7 =	sld [smem:$0x3FA6]  }
0x2d: {  	s3 =	simm.s32 $0x108;
	s8 =	sld [smem:$0x3FA7]  }
0x2e: {  	s3 =	simm.s32 @!p0 $0x1082;
	s9 =	sld [smem:$0x3FA8]  }
0x2f: {  	lr =	sadd.s32 s0, s3;
	s0 =	sld [smem:$0x3F9F]  }
0x30: {  	s3 =	sld [smem:$0x3FA2]  }
0x31: {  	[smem:$0x3FAB] =	sst s10  }
0x32: {  	s10 =	sld [smem:$0x3FA9];
	_ =	sdelay $0x3  }
0x33: {  	p0 =	seq.s32 s10, $0x1;
	s10 =	sld [smem:$0x3FAB];
	_ =	sdelay $0x3  }
0x34: {  	[smem:$0x3FAB] =	sst s10  }
0x35: {  	s10 =	sld [smem:$0x3FAA];
	_ =	sdelay $0x3  }
0x36: {  	p1 =	seq.s32 s10, $0x1;
	s10 =	sld [smem:$0x3FAB];
	_ =	sdelay $0x3  }
0x37: {  	[smem:$0x3FAB] =	sst s10  }
0x38: {  	s10 =	sld [smem:$0x3FAC]  }
0x39: {  	_ = 	snop;
	(pc) =	sbr.ind lr, $3  }
0x3a: {  	_ = 	snop  }
0x3b: {  	_ = 	snop  }
0x3c: {  	p2 =	seq.s32 s10, $0x1;
	s10 =	sld [smem:$0x3FAB]  }
0x3d: {  	_ =	shalt  }
0x3e: {  	_ =	shalt  }
0x3f: {  	_ =	shalt  }
0x40: {  	_ =	shalt  }
0x41: {  	_ =	shalt  }
0x42: {  	_ =	shalt  }
0x43: {  	_ =	shalt  }
0x44: {  	_ =	shalt  }
0x45: {  	_ =	shalt  }
0x46: {  	_ =	shalt  }
0x47: {  	_ =	shalt  }
0x48: {  	_ =	shalt  }
0x49: {  	_ =	shalt  }
0x4a: {  	_ =	shalt  }
0x4b: {  	_ =	shalt  }
0x4c: {  	_ =	shalt  }
0x4d: {  	_ =	shalt  }
0x4e: {  	_ =	shalt  }
0x4f: {  	_ =	shalt  }
0x50: {  	_ =	shalt  }
0x51: {  	_ =	shalt  }
0x52: {  	_ =	shalt  }
0x53: {  	_ =	shalt  }
0x54: {  	_ =	shalt  }
0x55: {  	_ =	shalt  }
0x56: {  	_ =	shalt  }
0x57: {  	_ =	shalt  }
0x58: {  	_ =	shalt  }
0x59: {  	_ =	shalt  }
0x5a: {  	_ =	shalt  }
0x5b: {  	_ =	shalt  }
0x5c: {  	_ =	shalt  }
0x5d: {  	_ =	shalt  }
0x5e: {  	_ =	shalt  }
0x5f: {  	_ =	shalt  }
0x60: {  	_ =	shalt  }
0x61: {  	_ =	shalt  }
0x62: {  	_ =	shalt  }
0x63: {  	_ =	shalt  }
0x64: {  	_ =	shalt  }
0x65: {  	_ =	shalt  }
0x66: {  	_ =	shalt  }
0x67: {  	_ =	shalt  }
0x68: {  	_ =	shalt  }
0x69: {  	_ =	shalt  }
0x6a: {  	_ =	shalt  }
0x6b: {  	_ =	shalt  }
0x6c: {  	_ =	shalt  }
0x6d: {  	_ =	shalt  }
0x6e: {  	_ =	shalt  }
0x6f: {  	_ =	shalt  }
0x70: {  	_ =	shalt  }
0x71: {  	_ =	shalt  }
0x72: {  	_ =	shalt  }
0x73: {  	_ =	shalt  }
0x74: {  	_ =	shalt  }
0x75: {  	_ =	shalt  }
0x76: {  	_ =	shalt  }
0x77: {  	_ =	shalt  }
0x78: {  	_ =	shalt  }
0x79: {  	_ =	shalt  }
0x7a: {  	_ =	shalt  }
0x7b: {  	_ =	shalt  }
0x7c: {  	_ =	shalt  }
0x7d: {  	_ =	shalt  }
0x7e: {  	_ =	shalt  }
0x7f: {  	_ =	shalt  }
0x80: {  	_ =	shalt  }
0x81: {  	_ =	shalt  }
0x82: {  	_ =	shalt  }
0x83: {  	_ =	shalt  }
0x84: {  	_ =	shalt  }
0x85: {  	_ =	shalt  }
0x86: {  	_ =	shalt  }
0x87: {  	_ =	shalt  }
.Lfunc_end0:
.L_simem_size_0:
called_computation_lowered:
.L_overlay_start_0:
0x88: {  	s2 =	sld [smem:$0x3FD9]  }
0x89: {  	s3 =	sld [smem:$0x3FFE];
	_ =	sdelay $0x1  }
0x8a: {  	s1 =	srdreg.scid  }
0x8b: {  	s0 =	sand.u32 $0x1, s1  }
0x8c: {  	s16 =	sshll.u32 s0, $0xA;
	s2 =	sadd.s32 s3, s2  }
0x8d: {  	s2 =	sadd.s32 s2, s16  }
0x8e: {  	[smem:$0x3FB7] =	sst s2  }
0x8f: {  	_ = 	snop  }
0x90: {  	(tm) =	ssettm $0x1  }
0x91: {  	s17 =	sld [smem:$0x3FFB];
	_ =	sdelay $0x3  }
0x92: {  	_ =	strace s17  }
0x93: {  	s2 =	sld [smem:$0x3FFC];
	_ =	sdelay $0x3  }
0x94: {  	_ =	strace s2  }
0x95: {  	s2 =	sld [smem:$0x3FFD];
	_ =	sdelay $0x3  }
0x96: {  	_ =	strace s2  }
0x97: {  	_ =	strace $0x8FFFFFFF  }
0x98: {  	s18 =	sld [smem:$0x3FDB];
	_ =	sdelay $0x1  }
0x99: {  	s19 =	simm.s32 $_scs_section_size  }
0x9a: {  	s4 =	simm.s32 $_size__tile_overlayer_lowered;
	s5 =	simm.s32 $_tile_overlayer_lowered  }
0x9b: {  	s22 =	simm.s32 $0x1BFF;
	s21 =	sshll.u32 s5, $0x1;
	s2 =	sadd.s32 s19, s18  }
0x9c: {  	s6 =	simm.s32 $0x0;
	s20 =	sshll.u32 s4, $0x1;
	s4 =	sadd.s32 s21, s2  }
0x9d: {  	[timem:s6], [sflag:s22] =	dma.local [hbm:s4], s20  }
0x9e: {  	_ =	swait.ge [sflag:s22], s20  }
0x9f: {  	s3 =	ssub.s32 $0x0, s20;
	[sflag:s22] =	ssyncset.done $0x0  }
0xa0: {  	[sflag:s22] =	ssyncadd.s32 s3;
	_ =	sdelay $0x1  }
0xa1: {  	s23 =	simm.s32 $0x1B8B  }
0xa2: {  	_ =	swait.ge [sflag:s23], $0x1  }
0xa3: {  	[sflag:s23] =	ssyncset.done $0x0  }
0xa4: {  	s25 =	simm.s32 $0x1B8E;
	s24 =	sld [smem:$0x3FFE];
	[sflag:s23] =	ssyncadd.s32 $0xFFFFFFFF  }
0xa5: {  	s26 =	simm.s32 $execute0_lowered;
	[smem:$0x3FD2] =	sst s25  }
0xa6: {  	s4 =	sshll.u32 s26, $0x1;
	_ =	strace $0x80000046;
	[dreg:$0x1] =	wrdreg $0xFFFFFFFF  }
0xa7: {  	s28 =	simm.s32 $_size_execute0_lowered;
	s2 =	sadd.s32 s2, s4;
	[dreg:$0x0] =	wrdreg $0x0  }
0xa8: {  	s4 =	sshll.u32 s28, $0x1;
	[dreg:$0x2] =	wrdreg s2  }
0xa9: {  	[dreg:$0x3] =	wrdreg s4  }
0xaa: {  	[dreg:$0x4] =	wrdreg $0xC0  }
0xab: {  	_ =	task [dreg:s6], $0x5FFFF  }
0xac: {  	[dreg:$0x1] =	wrdreg $0xFFFFFFFF  }
0xad: {  	[dreg:$0x0] =	wrdreg $0x60  }
0xae: {  	[dreg:$0x2] =	wrdreg s24  }
0xaf: {  	[dreg:$0x3] =	wrdreg $0x6C000  }
0xb0: {  	[dreg:$0x4] =	wrdreg $0x9  }
0xb1: {  	_ =	task.clear_ibuf [dreg:s6], $0x5FFFF;
	_ =	strace $0x90000046  }
0xb2: {  	s29 =	simm.s32 $0x9;
	_ =	strace $0x80000048  }
0xb3: {  	_ =	swait.ge [sflag:s29], $0x1  }
0xb4: {  	[sflag:s29] =	ssyncadd.s32 $0xFFFFFFFF  }
0xb5: {  	_ =	strace $0x90000048  }
0xb6: {  	_ =	sfence  }
0xb7: {  	s30 =	sld [smem:$0x0];
	_ =	sdelay $0x2  }
0xb8: {  	s31 =	sshll.u32 s1, $0xD;
	s1 =	sshrl.u32 s1, $0x2  }
0xb9: {  	s3 =	sand.u32 $0x4000, s31;
	s1 =	sadd.s32 s1, s30  }
0xba: {  	s0 =	sor.u32 s3, s0;
	s1 =	sshll.u32 s1, $0x11  }
0xbb: {  	s0 =	sor.u32 s1, s0  }
0xbc: {  	s0 =	sadd.s32 $0x8F2B, s0  }
0xbd: {  	[sflag:s0] =	ssyncadd.remote.s32 $0x1  }
0xbe: {  	_ =	sfence.sel $0xFFFF  }
0xbf: {  	[dreg:$0x0] =	wrdreg $0xFFFFFFFF;
	(pc) =	sbr.abs _section_cstart, $3  }
0xc0: {  	[dreg:$0x1] =	wrdreg $0xFFFFFFFF  }
0xc1: {  	_ =	task.clear_ibuf [dreg:s6], $0x2FFFF;
	_ =	strace $0x9FFFFFFF  }
0xc2: {  	(tm) =	ssettm $0x7FFFFFFF  }
0xc3: {  	_ =	shalt  }
tec
execute0_lowered:
.L_overlay_start_1:
0x0: {  	(tag) =	ssettag $0x1  }
0x1: {  	s7 =	rddreg [dreg:$0x0]  }
0x2: {  	s0 =	srdreg.scid;
	s2 =	rddreg [dreg:$0x1]  }
0x3: {  	s3 =	simm.s32 $0x0;
	s12 =	simm.s32 $0x1;
	s13 =	simm.s32 $0x80  }
0x4: {  	s6 =	sand.u32 $0x1, s0;
	s0 =	stileid.u32;
	[smem:$0x7FF] =	sst s3  }
0x5: {  	s5 =	sadd.s32 $0xE800, s7;
	s1 =	sshll.u32 s6, $0x4;
	s8 =	smul.u32 $0x27800, s6  }
0x6: {  	s10 =	smul.u32 $0x4F000, s0;
	s6 =	ssub.s32 $0x2, s6;
	s31 =	sshll.u32 s0, $0x6  }
0x7: {  	s15 =	smul.u32 $0x2780, s0;
	s4 =	sor.u32 s0, s1;
	s1 =	rddreg [dreg:$0x2]  }
0x8: {  	_ =	strace $0x80000047;
	s30 =	sshrl.u32 s6, $0x1;
	s4 =	smul.u32 $0x580, s4  }
0x9: {  	s8 =	sadd.s32 s8, s7;
	s10 =	sshrl.u32 s10, $0x2;
	s11 =	ssub.s32 s6, s30  }
0xa: {  	s6 =	sor.u32 $0x1C02, s31;
	s10 =	sadd.s32 s10, s2;
	s14 =	sadd.s32 $0x11800, s8  }
0xb: {  	s8 =	smax.u32 s11, $0x1;
	s11 =	simm.s32 $0x2C00;
	s9 =	sadd.s32 s4, s7  }
0xc: {  	s4 =	sadd.s32 $0x11000, s7;
	s14 =	sadd.s32 s15, s14;
	s15 =	simm.s32 $0x0  }
0xd: {  	s7 =	sadd.s32 $0x3800, s9;
	s9 =	sshrl.u32 s10, $0x3;
	s10 =	simm.s32 $0x2  }
.LBB2_1:
0xe: {  	[spmem:s9], [sflag:s6] =	dma.local [hbm:s5], $0x2780  }
0xf: {  	_ =	swait.ge [sflag:s10], $0x2780  }
0x10: {  	[sflag:s10] =	ssyncset.done $0x0  }
0x11: {  	[sflag:s10] =	ssyncadd.s32 $0xFFFFD880  }
0x12: {  	[tilespmem:s11], [sflag:$0x2] =	stream.linear.gather [hbm4b:s4+s3], $0x4000, $0x38;
	[tilespmem:$0x1A800] =	vst v63  }
0x13: {  	_ =	swait.ge [sflag:s10], $0x4000  }
0x14: {  	[sflag:s10] =	ssyncset.done $0x0  }
0x15: {  	[sflag:s10] =	ssyncadd.s32 $0xFFFFC000  }
0x16: {  	[tilespmem:s3], [sflag:$0x1] =	stream.linear.gather [hbm4b:s7+s3], $0x2880, $0x38;
	[tilespmem:$0x1A800] =	vst v63  }
0x17: {  	_ =	swait.ge [sflag:s12], $0x2880  }
0x18: {  	[sflag:s12] =	ssyncset.done $0x0  }
0x19: {  	[sflag:s12] =	ssyncadd.s32 $0xFFFFD780  }
0x1a: {  	s16 =	simm.s32 $0x0;
	[bflag:$0x0] =	sbarrier.arrive $0xFFFF  }
0x1b: {  	[spmem:s2] =	stream.indirect.scatter.add.f32 [tilespmem:s11], [sflag:$0x2], $0x80, s16, s13, $0xb8;
	[tilespmem:$0x1A800] =	vst v63  }
0x1c: {  	_ =	swait.ge [sflag:s10], $0x4000  }
0x1d: {  	s16 =	simm.s32 $0x200;
	[sflag:s10] =	ssyncset.done $0x0  }
.LBB2_2:
0x1e: {  	s17 =	sshra.s32 s16, $0x2;
	[sflag:s10] =	ssyncadd.s32 $0xFFFFC000;
	p0 =	sne.s32 s16, $0xA000  }
0x1f: {  	[spmem:s2] =	stream.indirect.scatter.add.f32 [tilespmem:s11], [sflag:$0x2], $0x80, s17, s13, $0xb8;
	[tilespmem:$0x1A800] =	vst v63  }
.Ltmp0:
0x20: {  	_ = 	snop;
	(pc) =	sbr.rel @p0 .LBB2_2-.Ltmp0, $4  }
0x21: {  	_ = 	snop  }
0x22: {  	s16 =	sadd.s32 $0x200, s16  }
0x23: {  	_ =	swait.ge [sflag:s10], $0x4000  }
0x24: {  	[sflag:s10] =	ssyncset.done $0x0  }
0x25: {  	s15 =	sadd.s32 $0x1, s15  }
0x26: {  	[sflag:s10] =	ssyncadd.s32 $0xFFFFC000;
	p0 =	sne.s32 s15, s8  }
.Ltmp1:
0x27: {  	[bflag:$0x0] =	sbarrier.arrive $0xFFFF;
	(pc) =	sbr.rel @p0 .LBB2_1-.Ltmp1, $4  }
0x28: {  	[hbm:s14], [sflag:s6] =	dma.local [spmem:s9], $0x2780  }
0x29: {  	_ =	swait.ge [sflag:s10], $0x2780  }
0x2a: {  	[sflag:s10] =	ssyncset.done $0x0  }
0x2b: {  	[sflag:s10] =	ssyncadd.s32 $0xFFFFD880  }
0x2c: {  	_ =	sfence.sel $0x180000  }
0x2d: {  	[bflag:$0x0] =	sbarrier.arrive $0xFFFF  }
0x2e: {  	p0 =	sne.s32 s0, $0x0;
	_ =	strace $0x90000047  }
0x2f: {  	s0 =	sadd.s32 @!p0 $0x100000, s1;
	[bflag:$0x2] =	sbarrier.arrive $0xFFFF  }
0x30: {  	[sflag:s0] =	ssyncadd.tile.s32 @!p0 $0x1;
	_ =	shalt  }
.Lfunc_end2:
_tile_overlayer_lowered:
.L_overlay_start_2:
0x31: {  	(tag) =	ssettag $0x2  }
0x32: {  	s0 =	rddreg [dreg:$0x0];
	s2 =	stileid.u32  }
0x33: {  	s1 =	rddreg [dreg:$0x1];
	p0 =	sne.s32 s2, $0x0  }
0x34: {  	s3 =	rddreg [dreg:$0x2];
	[bflag:$0x3] =	sbarrier.arrive $0xFFFF;
	s2 =	simm.s32 @!p0 $0x1C02  }
0x35: {  	[timem:s3], [sflag:s2] =	dma.local @!p0 [hbm:s0], s1  }
0x36: {  	s0 =	simm.s32 @!p0 $0x2  }
0x37: {  	_ =	swait.ge @!p0 [sflag:s0], s1  }
0x38: {  	s1 =	ssub.s32 @!p0 $0x0, s1;
	[sflag:s0] =	ssyncset.done @!p0 $0x0  }
0x39: {  	[sflag:s0] =	ssyncadd.s32 @!p0 s1  }
0x3a: {  	[bflag:$0x3] =	sbarrier.arrive $0xFFFF  }
0x3b: {  	_ =	shalt  }

// kernel: kernel.13.cloned.1.call-start
scs
__scs_entry_jumppad:
0x0: {  	(pc) =	sbr.rel $0x88, $3  }
0x1: {  	(tag) =	ssettag $0x0;
	lr =	simm.s32 $0x1  }
0x2: {  	[smem:$0x3F90] =	sst lr;
	_ =	strace $0xD0000000  }
0x3: {  	_ = 	snop  }
0x4: {  	_ = 	snop  }
0x5: {  	_ = 	snop  }
0x6: {  	_ = 	snop  }
0x7: {  	_ = 	snop  }
__scs_overlays_trampoline_lowered:
0x8: {  	[smem:$0x3F9F] =	sst s0  }
0x9: {  	[smem:$0x3FA0] =	sst s1  }
0xa: {  	[smem:$0x3FA1] =	sst s2  }
0xb: {  	[smem:$0x3FA2] =	sst s3  }
0xc: {  	[smem:$0x3FA3] =	sst s4  }
0xd: {  	[smem:$0x3FA4] =	sst s5  }
0xe: {  	[smem:$0x3FA5] =	sst s6  }
0xf: {  	[smem:$0x3FA6] =	sst s7  }
0x10: {  	[smem:$0x3FA7] =	sst s8  }
0x11: {  	[smem:$0x3FA8] =	sst s9;
	s0 =	simm.s32 @!p0 $0x0  }
0x12: {  	s1 =	sld [smem:$0x3F8E];
	s0 =	simm.s32 @p0 $0x1  }
0x13: {  	[smem:$0x3FA9] =	sst s0;
	s0 =	simm.s32 @!p1 $0x0  }
0x14: {  	s2 =	sld [smem:$0x3F8D];
	s0 =	simm.s32 @p1 $0x1  }
0x15: {  	[smem:$0x3FAA] =	sst s0;
	s0 =	simm.s32 @!p2 $0x0  }
0x16: {  	s3 =	sld [smem:$0x3FDB];
	s0 =	simm.s32 @p2 $0x1  }
0x17: {  	s4 =	simm.s32 $0x1BF5;
	[smem:$0x3FAC] =	sst s0  }
0x18: {  	s0 =	sld [smem:$0x3F8F];
	_ =	swait.ge [sflag:s4], $0x0  }
0x19: {  	s7 =	sld [smem:$0x3F90]  }
0x1a: {  	s8 =	sadd.s32 $0xFFFFE003, lr  }
0x1b: {  	s9 =	sadd.s32 $0xFFFFFEF7, lr;
	s5 =	simm.s32 $0xFFFFFFFF;
	p2 =	slt.u32 s8, $0xFFFFF086  }
0x1c: {  	p1 =	slt.u32 s9, $0xF7A;
	s5 =	simm.s32 @!p2 $0x0  }
0x1d: {  	s5 =	simm.s32 @p1 $0x1;
	p0 =	seq.s32 s7, s2  }
0x1e: {  	s7 =	smul.u32 @!p0 $0xF7A, s2;
	p2 =	seq.s32 @!p0 s5, $0x0  }
0x1f: {  	s9 =	smul.u32 $0xF7A, s1;
	s8 =	simm.s32 @!p0 $0x1BF5;
	p2 =	por !p2, p0  }
0x20: {  	[sflag:s8] =	ssyncset.s32 @!p0 $0xFFFFF086;
	s6 =	sadd.s32 @!p0 s3, s7;
	s7 =	simm.s32 @!p0 $0x108  }
0x21: {  	s3 =	sadd.s32 s3, s9;
	s6 =	sadd.s32 @!p0 $0x88, s6;
	s7 =	simm.s32 @p2 $0x1082  }
0x22: {  	[simem:s7], [sflag:s8] =	dma.local @!p0 [hbm:s6], $0xF7A  }
0x23: {  	s9 =	sor.u32 $0xD0000000, s2;
	s6 =	simm.s32 $0x108;
	_ =	swait.ge @!p0 [sflag:s8], $0x0  }
0x24: {  	s3 =	sadd.s32 $0x88, s3;
	s6 =	simm.s32 @!p1 $0x1082;
	[sflag:s4] =	ssyncset.s32 $0xFFFFF086  }
0x25: {  	[simem:s6], [sflag:s4] =	dma.local [hbm:s3], $0xF7A  }
0x26: {  	[smem:$0x3F90] =	sst s1;
	(tag) =	ssettag s2;
	_ =	strace s9  }
0x27: {  	s1 =	sld [smem:$0x3FA0]  }
0x28: {  	s2 =	sld [smem:$0x3FA1]  }
0x29: {  	s4 =	sld [smem:$0x3FA3]  }
0x2a: {  	p0 =	seq.s32 s5, $0x0;
	s5 =	sld [smem:$0x3FA4]  }
0x2b: {  	s6 =	sld [smem:$0x3FA5]  }
0x2c: {  	s7 =	sld [smem:$0x3FA6]  }
0x2d: {  	s3 =	simm.s32 $0x108;
	s8 =	sld [smem:$0x3FA7]  }
0x2e: {  	s3 =	simm.s32 @!p0 $0x1082;
	s9 =	sld [smem:$0x3FA8]  }
0x2f: {  	lr =	sadd.s32 s0, s3;
	s0 =	sld [smem:$0x3F9F]  }
0x30: {  	s3 =	sld [smem:$0x3FA2]  }
0x31: {  	[smem:$0x3FAB] =	sst s10  }
0x32: {  	s10 =	sld [smem:$0x3FA9];
	_ =	sdelay $0x3  }
0x33: {  	p0 =	seq.s32 s10, $0x1;
	s10 =	sld [smem:$0x3FAB];
	_ =	sdelay $0x3  }
0x34: {  	[smem:$0x3FAB] =	sst s10  }
0x35: {  	s10 =	sld [smem:$0x3FAA];
	_ =	sdelay $0x3  }
0x36: {  	p1 =	seq.s32 s10, $0x1;
	s10 =	sld [smem:$0x3FAB];
	_ =	sdelay $0x3  }
0x37: {  	[smem:$0x3FAB] =	sst s10  }
0x38: {  	s10 =	sld [smem:$0x3FAC]  }
0x39: {  	_ = 	snop;
	(pc) =	sbr.ind lr, $3  }
0x3a: {  	_ = 	snop  }
0x3b: {  	_ = 	snop  }
0x3c: {  	p2 =	seq.s32 s10, $0x1;
	s10 =	sld [smem:$0x3FAB]  }
0x3d: {  	_ =	shalt  }
0x3e: {  	_ =	shalt  }
0x3f: {  	_ =	shalt  }
0x40: {  	_ =	shalt  }
0x41: {  	_ =	shalt  }
0x42: {  	_ =	shalt  }
0x43: {  	_ =	shalt  }
0x44: {  	_ =	shalt  }
0x45: {  	_ =	shalt  }
0x46: {  	_ =	shalt  }
0x47: {  	_ =	shalt  }
0x48: {  	_ =	shalt  }
0x49: {  	_ =	shalt  }
0x4a: {  	_ =	shalt  }
0x4b: {  	_ =	shalt  }
0x4c: {  	_ =	shalt  }
0x4d: {  	_ =	shalt  }
0x4e: {  	_ =	shalt  }
0x4f: {  	_ =	shalt  }
0x50: {  	_ =	shalt  }
0x51: {  	_ =	shalt  }
0x52: {  	_ =	shalt  }
0x53: {  	_ =	shalt  }
0x54: {  	_ =	shalt  }
0x55: {  	_ =	shalt  }
0x56: {  	_ =	shalt  }
0x57: {  	_ =	shalt  }
0x58: {  	_ =	shalt  }
0x59: {  	_ =	shalt  }
0x5a: {  	_ =	shalt  }
0x5b: {  	_ =	shalt  }
0x5c: {  	_ =	shalt  }
0x5d: {  	_ =	shalt  }
0x5e: {  	_ =	shalt  }
0x5f: {  	_ =	shalt  }
0x60: {  	_ =	shalt  }
0x61: {  	_ =	shalt  }
0x62: {  	_ =	shalt  }
0x63: {  	_ =	shalt  }
0x64: {  	_ =	shalt  }
0x65: {  	_ =	shalt  }
0x66: {  	_ =	shalt  }
0x67: {  	_ =	shalt  }
0x68: {  	_ =	shalt  }
0x69: {  	_ =	shalt  }
0x6a: {  	_ =	shalt  }
0x6b: {  	_ =	shalt  }
0x6c: {  	_ =	shalt  }
0x6d: {  	_ =	shalt  }
0x6e: {  	_ =	shalt  }
0x6f: {  	_ =	shalt  }
0x70: {  	_ =	shalt  }
0x71: {  	_ =	shalt  }
0x72: {  	_ =	shalt  }
0x73: {  	_ =	shalt  }
0x74: {  	_ =	shalt  }
0x75: {  	_ =	shalt  }
0x76: {  	_ =	shalt  }
0x77: {  	_ =	shalt  }
0x78: {  	_ =	shalt  }
0x79: {  	_ =	shalt  }
0x7a: {  	_ =	shalt  }
0x7b: {  	_ =	shalt  }
0x7c: {  	_ =	shalt  }
0x7d: {  	_ =	shalt  }
0x7e: {  	_ =	shalt  }
0x7f: {  	_ =	shalt  }
0x80: {  	_ =	shalt  }
0x81: {  	_ =	shalt  }
0x82: {  	_ =	shalt  }
0x83: {  	_ =	shalt  }
0x84: {  	_ =	shalt  }
0x85: {  	_ =	shalt  }
0x86: {  	_ =	shalt  }
0x87: {  	_ =	shalt  }
.Lfunc_end0:
.L_simem_size_0:
called_computation.1_lowered:
.L_overlay_start_0:
0x88: {  	s2 =	sld [smem:$0x3FD9]  }
0x89: {  	s3 =	sld [smem:$0x3FFE];
	_ =	sdelay $0x1  }
0x8a: {  	s1 =	srdreg.scid  }
0x8b: {  	s0 =	sand.u32 $0x1, s1  }
0x8c: {  	s16 =	sshll.u32 s0, $0xA;
	s2 =	sadd.s32 s3, s2  }
0x8d: {  	s2 =	sadd.s32 s2, s16  }
0x8e: {  	[smem:$0x3FB7] =	sst s2  }
0x8f: {  	_ = 	snop  }
0x90: {  	(tm) =	ssettm $0x1  }
0x91: {  	s17 =	sld [smem:$0x3FFB];
	_ =	sdelay $0x3  }
0x92: {  	_ =	strace s17  }
0x93: {  	s2 =	sld [smem:$0x3FFC];
	_ =	sdelay $0x3  }
0x94: {  	_ =	strace s2  }
0x95: {  	s2 =	sld [smem:$0x3FFD];
	_ =	sdelay $0x3  }
0x96: {  	_ =	strace s2  }
0x97: {  	_ =	strace $0x8FFFFFFF  }
0x98: {  	s18 =	sld [smem:$0x3FDB];
	_ =	sdelay $0x1  }
0x99: {  	s19 =	simm.s32 $_scs_section_size  }
0x9a: {  	s4 =	simm.s32 $_size__tile_overlayer_lowered;
	s5 =	simm.s32 $_tile_overlayer_lowered  }
0x9b: {  	s22 =	simm.s32 $0x1BFF;
	s21 =	sshll.u32 s5, $0x1;
	s2 =	sadd.s32 s19, s18  }
0x9c: {  	s6 =	simm.s32 $0x0;
	s20 =	sshll.u32 s4, $0x1;
	s4 =	sadd.s32 s21, s2  }
0x9d: {  	[timem:s6], [sflag:s22] =	dma.local [hbm:s4], s20  }
0x9e: {  	_ =	swait.ge [sflag:s22], s20  }
0x9f: {  	s3 =	ssub.s32 $0x0, s20;
	[sflag:s22] =	ssyncset.done $0x0  }
0xa0: {  	[sflag:s22] =	ssyncadd.s32 s3;
	_ =	sdelay $0x1  }
0xa1: {  	s23 =	simm.s32 $0x1B8B  }
0xa2: {  	_ =	swait.ge [sflag:s23], $0x1  }
0xa3: {  	[sflag:s23] =	ssyncset.done $0x0  }
0xa4: {  	s25 =	simm.s32 $0x1B8E;
	s24 =	sld [smem:$0x3FFE];
	[sflag:s23] =	ssyncadd.s32 $0xFFFFFFFF  }
0xa5: {  	s26 =	simm.s32 $execute0_lowered;
	[smem:$0x3FD2] =	sst s25  }
0xa6: {  	s4 =	sshll.u32 s26, $0x1;
	_ =	strace $0x80000049;
	[dreg:$0x1] =	wrdreg $0xFFFFFFFF  }
0xa7: {  	s28 =	simm.s32 $_size_execute0_lowered;
	s2 =	sadd.s32 s2, s4;
	[dreg:$0x0] =	wrdreg $0x0  }
0xa8: {  	s4 =	sshll.u32 s28, $0x1;
	[dreg:$0x2] =	wrdreg s2  }
0xa9: {  	[dreg:$0x3] =	wrdreg s4  }
0xaa: {  	[dreg:$0x4] =	wrdreg $0xC0  }
0xab: {  	_ =	task [dreg:s6], $0x5FFFF  }
0xac: {  	[dreg:$0x1] =	wrdreg $0xFFFFFFFF  }
0xad: {  	[dreg:$0x0] =	wrdreg $0x60  }
0xae: {  	[dreg:$0x2] =	wrdreg s24  }
0xaf: {  	[dreg:$0x3] =	wrdreg $0x98000  }
0xb0: {  	[dreg:$0x4] =	wrdreg $0x9  }
0xb1: {  	_ =	task.clear_ibuf [dreg:s6], $0x5FFFF;
	_ =	strace $0x90000049  }
0xb2: {  	s29 =	simm.s32 $0x9;
	_ =	strace $0x8000004B  }
0xb3: {  	_ =	swait.ge [sflag:s29], $0x1  }
0xb4: {  	[sflag:s29] =	ssyncadd.s32 $0xFFFFFFFF  }
0xb5: {  	_ =	strace $0x9000004B  }
0xb6: {  	_ =	sfence  }
0xb7: {  	s30 =	sld [smem:$0x0];
	_ =	sdelay $0x2  }
0xb8: {  	s31 =	sshll.u32 s1, $0xD;
	s1 =	sshrl.u32 s1, $0x2  }
0xb9: {  	s3 =	sand.u32 $0x4000, s31;
	s1 =	sadd.s32 s1, s30  }
0xba: {  	s0 =	sor.u32 s3, s0;
	s1 =	sshll.u32 s1, $0x11  }
0xbb: {  	s0 =	sor.u32 s1, s0  }
0xbc: {  	s0 =	sadd.s32 $0x8F2B, s0  }
0xbd: {  	[sflag:s0] =	ssyncadd.remote.s32 $0x1  }
0xbe: {  	_ =	sfence.sel $0xFFFF  }
0xbf: {  	[dreg:$0x0] =	wrdreg $0xFFFFFFFF;
	(pc) =	sbr.abs _section_cstart, $3  }
0xc0: {  	[dreg:$0x1] =	wrdreg $0xFFFFFFFF  }
0xc1: {  	_ =	task.clear_ibuf [dreg:s6], $0x2FFFF;
	_ =	strace $0x9FFFFFFF  }
0xc2: {  	(tm) =	ssettm $0x7FFFFFFF  }
0xc3: {  	_ =	shalt  }
tec
execute0_lowered:
.L_overlay_start_1:
0x0: {  	(tag) =	ssettag $0x1  }
0x1: {  	s0 =	srdreg.scid;
	s6 =	rddreg [dreg:$0x0]  }
0x2: {  	s2 =	rddreg [dreg:$0x1];
	s1 =	stileid.u32;
	s3 =	simm.s32 $0x0  }
0x3: {  	s13 =	simm.s32 $0x2C00;
	s14 =	simm.s32 $0x80;
	s15 =	simm.s32 $0x5800  }
0x4: {  	s5 =	sand.u32 $0x1, s0;
	s0 =	rddreg [dreg:$0x2];
	s10 =	smul.u32 $0x4F000, s1  }
0x5: {  	[smem:$0x7FF] =	sst s3;
	s31 =	sshll.u32 s1, $0x6;
	s17 =	smul.u32 $0x2780, s1  }
0x6: {  	s4 =	sshll.u32 s5, $0x4;
	_ =	strace $0x8000004A;
	s8 =	smul.u32 $0x27800, s5  }
0x7: {  	s28 =	ssub.s32 $0x2, s5;
	s5 =	sadd.s32 $0xE800, s6;
	s4 =	sor.u32 s1, s4  }
0x8: {  	s29 =	sshrl.u32 s28, $0x1;
	s30 =	sshrl.u32 s10, $0x2;
	s7 =	smul.u32 $0x580, s4  }
0x9: {  	s4 =	sadd.s32 $0x11000, s6;
	s11 =	sadd.s32 s8, s6;
	s10 =	sadd.s32 s30, s2  }
0xa: {  	s12 =	ssub.s32 s28, s29;
	s16 =	sadd.s32 $0x6B800, s11;
	s10 =	sshrl.u32 s10, $0x3  }
0xb: {  	s11 =	simm.s32 $0x2;
	s9 =	sadd.s32 s7, s6;
	s6 =	sor.u32 $0x1C02, s31  }
0xc: {  	s16 =	sadd.s32 s17, s16;
	s17 =	simm.s32 $0x0;
	s7 =	sadd.s32 $0x60800, s9  }
0xd: {  	s8 =	sadd.s32 $0x3800, s9;
	s9 =	smax.u32 s12, $0x1;
	s12 =	simm.s32 $0x1  }
.LBB2_1:
0xe: {  	[spmem:s10], [sflag:s6] =	dma.local [hbm:s5], $0x2780  }
0xf: {  	_ =	swait.ge [sflag:s11], $0x2780  }
0x10: {  	[sflag:s11] =	ssyncset.done $0x0  }
0x11: {  	[sflag:s11] =	ssyncadd.s32 $0xFFFFD880  }
0x12: {  	[tilespmem:s3], [sflag:$0x1] =	stream.linear.gather [hbm4b:s7+s3], $0x2880, $0x38;
	[tilespmem:$0x1D400] =	vst v63  }
0x13: {  	_ =	swait.ge [sflag:s12], $0x2880  }
0x14: {  	[sflag:s12] =	ssyncset.done $0x0  }
0x15: {  	[sflag:s12] =	ssyncadd.s32 $0xFFFFD780  }
0x16: {  	[tilespmem:s13], [sflag:$0x1] =	stream.linear.gather [hbm4b:s8+s3], $0x2880, $0x38;
	[tilespmem:$0x1D400] =	vst v63  }
0x17: {  	_ =	swait.ge [sflag:s12], $0x2880  }
0x18: {  	[sflag:s12] =	ssyncset.done $0x0  }
0x19: {  	[sflag:s12] =	ssyncadd.s32 $0xFFFFD780  }
0x1a: {  	s18 =	simm.s32 $0x0;
	[bflag:$0x0] =	sbarrier.arrive $0xFFFF  }
0x1b: {  	[tilespmem:s15], [sflag:$0x1] =	stream.indirect.gather [hbm4b:s4+s14], $0x80, s18, s14, $0xb8;
	[tilespmem:$0x1D400] =	vst v63  }
0x1c: {  	_ =	swait.ge [sflag:s12], $0x4000  }
0x1d: {  	[sflag:s12] =	ssyncset.done $0x0  }
0x1e: {  	s31 =	simm.s32 $0x2C00;
	[sflag:s12] =	ssyncadd.s32 $0xFFFFC000  }
0x1f: {  	[spmem:s2] =	stream.indirect.scatter.add.f32 [tilespmem:s15], [sflag:$0x2], $0x80, s31, s14, $0xb8;
	[tilespmem:$0x1D400] =	vst v63  }
0x20: {  	_ =	swait.ge [sflag:s11], $0x4000  }
0x21: {  	s19 =	simm.s32 $0x400;
	s18 =	simm.s32 $0x200;
	[sflag:s11] =	ssyncset.done $0x0  }
.LBB2_2:
0x22: {  	s20 =	sshra.s32 s18, $0x2  }
0x23: {  	[sflag:s11] =	ssyncadd.s32 $0xFFFFC000;
	s18 =	smov.u32 s19;
	s21 =	sadd.s32 $0x200, s19  }
0x24: {  	[tilespmem:s15], [sflag:$0x1] =	stream.indirect.gather [hbm4b:s4+s14], $0x80, s20, s14, $0xb8;
	[tilespmem:$0x1D400] =	vst v63  }
0x25: {  	p0 =	sne.s32 s19, $0xA000;
	_ =	swait.ge [sflag:s12], $0x4000  }
.Ltmp0:
0x26: {  	[sflag:s12] =	ssyncset.done $0x0;
	(pc) =	sbr.rel @p0 .LBB2_2-.Ltmp0, $4  }
0x27: {  	s19 =	sadd.s32 $0x2C00, s20;
	[sflag:s12] =	ssyncadd.s32 $0xFFFFC000  }
0x28: {  	[spmem:s2] =	stream.indirect.scatter.add.f32 [tilespmem:s15], [sflag:$0x2], $0x80, s19, s14, $0xb8;
	[tilespmem:$0x1D400] =	vst v63  }
0x29: {  	_ =	swait.ge [sflag:s11], $0x4000  }
0x2a: {  	s19 =	smov.u32 s21;
	[sflag:s11] =	ssyncset.done $0x0  }
0x2b: {  	s18 =	sshra.s32 s18, $0x2;
	[sflag:s11] =	ssyncadd.s32 $0xFFFFC000  }
0x2c: {  	[tilespmem:s15], [sflag:$0x1] =	stream.indirect.gather [hbm4b:s4+s14], $0x80, s18, s14, $0xb8;
	[tilespmem:$0x1D400] =	vst v63  }
0x2d: {  	_ =	swait.ge [sflag:s12], $0x4000  }
0x2e: {  	[sflag:s12] =	ssyncset.done $0x0  }
0x2f: {  	s18 =	sadd.s32 $0x2C00, s18;
	[sflag:s12] =	ssyncadd.s32 $0xFFFFC000  }
0x30: {  	[spmem:s2] =	stream.indirect.scatter.add.f32 [tilespmem:s15], [sflag:$0x2], $0x80, s18, s14, $0xb8;
	[tilespmem:$0x1D400] =	vst v63  }
0x31: {  	_ =	swait.ge [sflag:s11], $0x4000  }
0x32: {  	s17 =	sadd.s32 $0x1, s17;
	[sflag:s11] =	ssyncset.done $0x0  }
0x33: {  	p0 =	sne.s32 s17, s9;
	[sflag:s11] =	ssyncadd.s32 $0xFFFFC000  }
.Ltmp1:
0x34: {  	[bflag:$0x0] =	sbarrier.arrive $0xFFFF;
	(pc) =	sbr.rel @p0 .LBB2_1-.Ltmp1, $4  }
0x35: {  	[hbm:s16], [sflag:s6] =	dma.local [spmem:s10], $0x2780  }
0x36: {  	_ =	swait.ge [sflag:s11], $0x2780  }
0x37: {  	[sflag:s11] =	ssyncset.done $0x0  }
0x38: {  	[sflag:s11] =	ssyncadd.s32 $0xFFFFD880  }
0x39: {  	_ =	sfence.sel $0x180000  }
0x3a: {  	[bflag:$0x0] =	sbarrier.arrive $0xFFFF  }
0x3b: {  	p0 =	sne.s32 s1, $0x0;
	_ =	strace $0x9000004A  }
0x3c: {  	s0 =	sadd.s32 @!p0 $0x100000, s0;
	[bflag:$0x2] =	sbarrier.arrive $0xFFFF  }
0x3d: {  	[sflag:s0] =	ssyncadd.tile.s32 @!p0 $0x1;
	_ =	shalt  }
.Lfunc_end2:
_tile_overlayer_lowered:
.L_overlay_start_2:
0x3e: {  	(tag) =	ssettag $0x2  }
0x3f: {  	s0 =	rddreg [dreg:$0x0];
	s2 =	stileid.u32  }
0x40: {  	s1 =	rddreg [dreg:$0x1];
	p0 =	sne.s32 s2, $0x0  }
0x41: {  	s3 =	rddreg [dreg:$0x2];
	[bflag:$0x3] =	sbarrier.arrive $0xFFFF;
	s2 =	simm.s32 @!p0 $0x1C02  }
0x42: {  	[timem:s3], [sflag:s2] =	dma.local @!p0 [hbm:s0], s1  }
0x43: {  	s0 =	simm.s32 @!p0 $0x2  }
0x44: {  	_ =	swait.ge @!p0 [sflag:s0], s1  }
0x45: {  	s1 =	ssub.s32 @!p0 $0x0, s1;
	[sflag:s0] =	ssyncset.done @!p0 $0x0  }
0x46: {  	[sflag:s0] =	ssyncadd.s32 @!p0 s1  }
0x47: {  	[bflag:$0x3] =	sbarrier.arrive $0xFFFF  }
0x48: {  	_ =	shalt  }

// kernel: kernel.16.cloned.1.call-start
scs
__scs_entry_jumppad:
0x0: {  	(pc) =	sbr.rel $0x88, $3  }
0x1: {  	(tag) =	ssettag $0x0;
	lr =	simm.s32 $0x1  }
0x2: {  	[smem:$0x3F90] =	sst lr;
	_ =	strace $0xD0000000  }
0x3: {  	_ = 	snop  }
0x4: {  	_ = 	snop  }
0x5: {  	_ = 	snop  }
0x6: {  	_ = 	snop  }
0x7: {  	_ = 	snop  }
__scs_overlays_trampoline_lowered:
0x8: {  	[smem:$0x3F9F] =	sst s0  }
0x9: {  	[smem:$0x3FA0] =	sst s1  }
0xa: {  	[smem:$0x3FA1] =	sst s2  }
0xb: {  	[smem:$0x3FA2] =	sst s3  }
0xc: {  	[smem:$0x3FA3] =	sst s4  }
0xd: {  	[smem:$0x3FA4] =	sst s5  }
0xe: {  	[smem:$0x3FA5] =	sst s6  }
0xf: {  	[smem:$0x3FA6] =	sst s7  }
0x10: {  	[smem:$0x3FA7] =	sst s8  }
0x11: {  	[smem:$0x3FA8] =	sst s9;
	s0 =	simm.s32 @!p0 $0x0  }
0x12: {  	s1 =	sld [smem:$0x3F8E];
	s0 =	simm.s32 @p0 $0x1  }
0x13: {  	[smem:$0x3FA9] =	sst s0;
	s0 =	simm.s32 @!p1 $0x0  }
0x14: {  	s2 =	sld [smem:$0x3F8D];
	s0 =	simm.s32 @p1 $0x1  }
0x15: {  	[smem:$0x3FAA] =	sst s0;
	s0 =	simm.s32 @!p2 $0x0  }
0x16: {  	s3 =	sld [smem:$0x3FDB];
	s0 =	simm.s32 @p2 $0x1  }
0x17: {  	s4 =	simm.s32 $0x1BF5;
	[smem:$0x3FAC] =	sst s0  }
0x18: {  	s0 =	sld [smem:$0x3F8F];
	_ =	swait.ge [sflag:s4], $0x0  }
0x19: {  	s7 =	sld [smem:$0x3F90]  }
0x1a: {  	s8 =	sadd.s32 $0xFFFFE003, lr  }
0x1b: {  	s9 =	sadd.s32 $0xFFFFFEF7, lr;
	s5 =	simm.s32 $0xFFFFFFFF;
	p2 =	slt.u32 s8, $0xFFFFF086  }
0x1c: {  	p1 =	slt.u32 s9, $0xF7A;
	s5 =	simm.s32 @!p2 $0x0  }
0x1d: {  	s5 =	simm.s32 @p1 $0x1;
	p0 =	seq.s32 s7, s2  }
0x1e: {  	s7 =	smul.u32 @!p0 $0xF7A, s2;
	p2 =	seq.s32 @!p0 s5, $0x0  }
0x1f: {  	s9 =	smul.u32 $0xF7A, s1;
	s8 =	simm.s32 @!p0 $0x1BF5;
	p2 =	por !p2, p0  }
0x20: {  	[sflag:s8] =	ssyncset.s32 @!p0 $0xFFFFF086;
	s6 =	sadd.s32 @!p0 s3, s7;
	s7 =	simm.s32 @!p0 $0x108  }
0x21: {  	s3 =	sadd.s32 s3, s9;
	s6 =	sadd.s32 @!p0 $0x88, s6;
	s7 =	simm.s32 @p2 $0x1082  }
0x22: {  	[simem:s7], [sflag:s8] =	dma.local @!p0 [hbm:s6], $0xF7A  }
0x23: {  	s9 =	sor.u32 $0xD0000000, s2;
	s6 =	simm.s32 $0x108;
	_ =	swait.ge @!p0 [sflag:s8], $0x0  }
0x24: {  	s3 =	sadd.s32 $0x88, s3;
	s6 =	simm.s32 @!p1 $0x1082;
	[sflag:s4] =	ssyncset.s32 $0xFFFFF086  }
0x25: {  	[simem:s6], [sflag:s4] =	dma.local [hbm:s3], $0xF7A  }
0x26: {  	[smem:$0x3F90] =	sst s1;
	(tag) =	ssettag s2;
	_ =	strace s9  }
0x27: {  	s1 =	sld [smem:$0x3FA0]  }
0x28: {  	s2 =	sld [smem:$0x3FA1]  }
0x29: {  	s4 =	sld [smem:$0x3FA3]  }
0x2a: {  	p0 =	seq.s32 s5, $0x0;
	s5 =	sld [smem:$0x3FA4]  }
0x2b: {  	s6 =	sld [smem:$0x3FA5]  }
0x2c: {  	s7 =	sld [smem:$0x3FA6]  }
0x2d: {  	s3 =	simm.s32 $0x108;
	s8 =	sld [smem:$0x3FA7]  }
0x2e: {  	s3 =	simm.s32 @!p0 $0x1082;
	s9 =	sld [smem:$0x3FA8]  }
0x2f: {  	lr =	sadd.s32 s0, s3;
	s0 =	sld [smem:$0x3F9F]  }
0x30: {  	s3 =	sld [smem:$0x3FA2]  }
0x31: {  	[smem:$0x3FAB] =	sst s10  }
0x32: {  	s10 =	sld [smem:$0x3FA9];
	_ =	sdelay $0x3  }
0x33: {  	p0 =	seq.s32 s10, $0x1;
	s10 =	sld [smem:$0x3FAB];
	_ =	sdelay $0x3  }
0x34: {  	[smem:$0x3FAB] =	sst s10  }
0x35: {  	s10 =	sld [smem:$0x3FAA];
	_ =	sdelay $0x3  }
0x36: {  	p1 =	seq.s32 s10, $0x1;
	s10 =	sld [smem:$0x3FAB];
	_ =	sdelay $0x3  }
0x37: {  	[smem:$0x3FAB] =	sst s10  }
0x38: {  	s10 =	sld [smem:$0x3FAC]  }
0x39: {  	_ = 	snop;
	(pc) =	sbr.ind lr, $3  }
0x3a: {  	_ = 	snop  }
0x3b: {  	_ = 	snop  }
0x3c: {  	p2 =	seq.s32 s10, $0x1;
	s10 =	sld [smem:$0x3FAB]  }
0x3d: {  	_ =	shalt  }
0x3e: {  	_ =	shalt  }
0x3f: {  	_ =	shalt  }
0x40: {  	_ =	shalt  }
0x41: {  	_ =	shalt  }
0x42: {  	_ =	shalt  }
0x43: {  	_ =	shalt  }
0x44: {  	_ =	shalt  }
0x45: {  	_ =	shalt  }
0x46: {  	_ =	shalt  }
0x47: {  	_ =	shalt  }
0x48: {  	_ =	shalt  }
0x49: {  	_ =	shalt  }
0x4a: {  	_ =	shalt  }
0x4b: {  	_ =	shalt  }
0x4c: {  	_ =	shalt  }
0x4d: {  	_ =	shalt  }
0x4e: {  	_ =	shalt  }
0x4f: {  	_ =	shalt  }
0x50: {  	_ =	shalt  }
0x51: {  	_ =	shalt  }
0x52: {  	_ =	shalt  }
0x53: {  	_ =	shalt  }
0x54: {  	_ =	shalt  }
0x55: {  	_ =	shalt  }
0x56: {  	_ =	shalt  }
0x57: {  	_ =	shalt  }
0x58: {  	_ =	shalt  }
0x59: {  	_ =	shalt  }
0x5a: {  	_ =	shalt  }
0x5b: {  	_ =	shalt  }
0x5c: {  	_ =	shalt  }
0x5d: {  	_ =	shalt  }
0x5e: {  	_ =	shalt  }
0x5f: {  	_ =	shalt  }
0x60: {  	_ =	shalt  }
0x61: {  	_ =	shalt  }
0x62: {  	_ =	shalt  }
0x63: {  	_ =	shalt  }
0x64: {  	_ =	shalt  }
0x65: {  	_ =	shalt  }
0x66: {  	_ =	shalt  }
0x67: {  	_ =	shalt  }
0x68: {  	_ =	shalt  }
0x69: {  	_ =	shalt  }
0x6a: {  	_ =	shalt  }
0x6b: {  	_ =	shalt  }
0x6c: {  	_ =	shalt  }
0x6d: {  	_ =	shalt  }
0x6e: {  	_ =	shalt  }
0x6f: {  	_ =	shalt  }
0x70: {  	_ =	shalt  }
0x71: {  	_ =	shalt  }
0x72: {  	_ =	shalt  }
0x73: {  	_ =	shalt  }
0x74: {  	_ =	shalt  }
0x75: {  	_ =	shalt  }
0x76: {  	_ =	shalt  }
0x77: {  	_ =	shalt  }
0x78: {  	_ =	shalt  }
0x79: {  	_ =	shalt  }
0x7a: {  	_ =	shalt  }
0x7b: {  	_ =	shalt  }
0x7c: {  	_ =	shalt  }
0x7d: {  	_ =	shalt  }
0x7e: {  	_ =	shalt  }
0x7f: {  	_ =	shalt  }
0x80: {  	_ =	shalt  }
0x81: {  	_ =	shalt  }
0x82: {  	_ =	shalt  }
0x83: {  	_ =	shalt  }
0x84: {  	_ =	shalt  }
0x85: {  	_ =	shalt  }
0x86: {  	_ =	shalt  }
0x87: {  	_ =	shalt  }
.Lfunc_end0:
.L_simem_size_0:
called_computation.2_lowered:
.L_overlay_start_0:
0x88: {  	s2 =	sld [smem:$0x3FD9]  }
0x89: {  	s3 =	sld [smem:$0x3FFE];
	_ =	sdelay $0x1  }
0x8a: {  	s1 =	srdreg.scid  }
0x8b: {  	s0 =	sand.u32 $0x1, s1  }
0x8c: {  	s16 =	sshll.u32 s0, $0xA;
	s2 =	sadd.s32 s3, s2  }
0x8d: {  	s2 =	sadd.s32 s2, s16  }
0x8e: {  	[smem:$0x3FB7] =	sst s2  }
0x8f: {  	_ = 	snop  }
0x90: {  	(tm) =	ssettm $0x1  }
0x91: {  	s17 =	sld [smem:$0x3FFB];
	_ =	sdelay $0x3  }
0x92: {  	_ =	strace s17  }
0x93: {  	s2 =	sld [smem:$0x3FFC];
	_ =	sdelay $0x3  }
0x94: {  	_ =	strace s2  }
0x95: {  	s2 =	sld [smem:$0x3FFD];
	_ =	sdelay $0x3  }
0x96: {  	_ =	strace s2  }
0x97: {  	_ =	strace $0x8FFFFFFF  }
0x98: {  	s18 =	sld [smem:$0x3FDB];
	_ =	sdelay $0x1  }
0x99: {  	s19 =	simm.s32 $_scs_section_size  }
0x9a: {  	s4 =	simm.s32 $_size__tile_overlayer_lowered;
	s5 =	simm.s32 $_tile_overlayer_lowered  }
0x9b: {  	s22 =	simm.s32 $0x1BFF;
	s21 =	sshll.u32 s5, $0x1;
	s2 =	sadd.s32 s19, s18  }
0x9c: {  	s6 =	simm.s32 $0x0;
	s20 =	sshll.u32 s4, $0x1;
	s4 =	sadd.s32 s21, s2  }
0x9d: {  	[timem:s6], [sflag:s22] =	dma.local [hbm:s4], s20  }
0x9e: {  	_ =	swait.ge [sflag:s22], s20  }
0x9f: {  	s3 =	ssub.s32 $0x0, s20;
	[sflag:s22] =	ssyncset.done $0x0  }
0xa0: {  	[sflag:s22] =	ssyncadd.s32 s3;
	_ =	sdelay $0x1  }
0xa1: {  	s23 =	simm.s32 $0x1B8B  }
0xa2: {  	_ =	swait.ge [sflag:s23], $0x1  }
0xa3: {  	[sflag:s23] =	ssyncset.done $0x0  }
0xa4: {  	s25 =	simm.s32 $0x1B8E;
	s24 =	sld [smem:$0x3FFE];
	[sflag:s23] =	ssyncadd.s32 $0xFFFFFFFF  }
0xa5: {  	s26 =	simm.s32 $execute0_lowered;
	[smem:$0x3FD2] =	sst s25  }
0xa6: {  	s4 =	sshll.u32 s26, $0x1;
	_ =	strace $0x8000004C;
	[dreg:$0x1] =	wrdreg $0xFFFFFFFF  }
0xa7: {  	s28 =	simm.s32 $_size_execute0_lowered;
	s2 =	sadd.s32 s2, s4;
	[dreg:$0x0] =	wrdreg $0x0  }
0xa8: {  	s4 =	sshll.u32 s28, $0x1;
	[dreg:$0x2] =	wrdreg s2  }
0xa9: {  	[dreg:$0x3] =	wrdreg s4  }
0xaa: {  	[dreg:$0x4] =	wrdreg $0xC0  }
0xab: {  	_ =	task [dreg:s6], $0x5FFFF  }
0xac: {  	[dreg:$0x1] =	wrdreg $0xFFFFFFFF  }
0xad: {  	[dreg:$0x0] =	wrdreg $0x60  }
0xae: {  	[dreg:$0x2] =	wrdreg s24  }
0xaf: {  	[dreg:$0x3] =	wrdreg $0x98000  }
0xb0: {  	[dreg:$0x4] =	wrdreg $0x9  }
0xb1: {  	_ =	task.clear_ibuf [dreg:s6], $0x5FFFF;
	_ =	strace $0x9000004C  }
0xb2: {  	s29 =	simm.s32 $0x9;
	_ =	strace $0x8000004E  }
0xb3: {  	_ =	swait.ge [sflag:s29], $0x1  }
0xb4: {  	[sflag:s29] =	ssyncadd.s32 $0xFFFFFFFF  }
0xb5: {  	_ =	strace $0x9000004E  }
0xb6: {  	_ =	sfence  }
0xb7: {  	s30 =	sld [smem:$0x0];
	_ =	sdelay $0x2  }
0xb8: {  	s31 =	sshll.u32 s1, $0xD;
	s1 =	sshrl.u32 s1, $0x2  }
0xb9: {  	s3 =	sand.u32 $0x4000, s31;
	s1 =	sadd.s32 s1, s30  }
0xba: {  	s0 =	sor.u32 s3, s0;
	s1 =	sshll.u32 s1, $0x11  }
0xbb: {  	s0 =	sor.u32 s1, s0  }
0xbc: {  	s0 =	sadd.s32 $0x8F2B, s0  }
0xbd: {  	[sflag:s0] =	ssyncadd.remote.s32 $0x1  }
0xbe: {  	_ =	sfence.sel $0xFFFF  }
0xbf: {  	[dreg:$0x0] =	wrdreg $0xFFFFFFFF;
	(pc) =	sbr.abs _section_cstart, $3  }
0xc0: {  	[dreg:$0x1] =	wrdreg $0xFFFFFFFF  }
0xc1: {  	_ =	task.clear_ibuf [dreg:s6], $0x2FFFF;
	_ =	strace $0x9FFFFFFF  }
0xc2: {  	(tm) =	ssettm $0x7FFFFFFF  }
0xc3: {  	_ =	shalt  }
tec
execute0_lowered:
.L_overlay_start_1:
0x0: {  	(tag) =	ssettag $0x1  }
0x1: {  	s0 =	srdreg.scid;
	s6 =	rddreg [dreg:$0x0]  }
0x2: {  	s2 =	rddreg [dreg:$0x1];
	s1 =	stileid.u32;
	s3 =	simm.s32 $0x0  }
0x3: {  	s13 =	simm.s32 $0x2C00;
	s14 =	simm.s32 $0x80;
	s15 =	simm.s32 $0x5800  }
0x4: {  	s5 =	sand.u32 $0x1, s0;
	s0 =	rddreg [dreg:$0x2];
	s10 =	smul.u32 $0x4F000, s1  }
0x5: {  	[smem:$0x7FF] =	sst s3;
	s31 =	sshll.u32 s1, $0x6;
	s17 =	smul.u32 $0x2780, s1  }
0x6: {  	s4 =	sshll.u32 s5, $0x4;
	_ =	strace $0x8000004D;
	s8 =	smul.u32 $0x27800, s5  }
0x7: {  	s28 =	ssub.s32 $0x2, s5;
	s5 =	sadd.s32 $0xE800, s6;
	s4 =	sor.u32 s1, s4  }
0x8: {  	s29 =	sshrl.u32 s28, $0x1;
	s30 =	sshrl.u32 s10, $0x2;
	s7 =	smul.u32 $0x580, s4  }
0x9: {  	s4 =	sadd.s32 $0x11000, s6;
	s11 =	sadd.s32 s8, s6;
	s10 =	sadd.s32 s30, s2  }
0xa: {  	s12 =	ssub.s32 s28, s29;
	s16 =	sadd.s32 $0x6B800, s11;
	s10 =	sshrl.u32 s10, $0x3  }
0xb: {  	s11 =	simm.s32 $0x2;
	s9 =	sadd.s32 s7, s6;
	s6 =	sor.u32 $0x1C02, s31  }
0xc: {  	s16 =	sadd.s32 s17, s16;
	s17 =	simm.s32 $0x0;
	s7 =	sadd.s32 $0x60800, s9  }
0xd: {  	s8 =	sadd.s32 $0x3800, s9;
	s9 =	smax.u32 s12, $0x1;
	s12 =	simm.s32 $0x1  }
.LBB2_1:
0xe: {  	[spmem:s10], [sflag:s6] =	dma.local [hbm:s5], $0x2780  }
0xf: {  	_ =	swait.ge [sflag:s11], $0x2780  }
0x10: {  	[sflag:s11] =	ssyncset.done $0x0  }
0x11: {  	[sflag:s11] =	ssyncadd.s32 $0xFFFFD880  }
0x12: {  	[tilespmem:s3], [sflag:$0x1] =	stream.linear.gather [hbm4b:s7+s3], $0x2880, $0x38;
	[tilespmem:$0x1D400] =	vst v63  }
0x13: {  	_ =	swait.ge [sflag:s12], $0x2880  }
0x14: {  	[sflag:s12] =	ssyncset.done $0x0  }
0x15: {  	[sflag:s12] =	ssyncadd.s32 $0xFFFFD780  }
0x16: {  	[tilespmem:s13], [sflag:$0x1] =	stream.linear.gather [hbm4b:s8+s3], $0x2880, $0x38;
	[tilespmem:$0x1D400] =	vst v63  }
0x17: {  	_ =	swait.ge [sflag:s12], $0x2880  }
0x18: {  	[sflag:s12] =	ssyncset.done $0x0  }
0x19: {  	[sflag:s12] =	ssyncadd.s32 $0xFFFFD780  }
0x1a: {  	s18 =	simm.s32 $0x0;
	[bflag:$0x0] =	sbarrier.arrive $0xFFFF  }
0x1b: {  	[tilespmem:s15], [sflag:$0x1] =	stream.indirect.gather [hbm4b:s4+s14], $0x80, s18, s14, $0xb8;
	[tilespmem:$0x1D400] =	vst v63  }
0x1c: {  	_ =	swait.ge [sflag:s12], $0x4000  }
0x1d: {  	[sflag:s12] =	ssyncset.done $0x0  }
0x1e: {  	s31 =	simm.s32 $0x2C00;
	[sflag:s12] =	ssyncadd.s32 $0xFFFFC000  }
0x1f: {  	[spmem:s2] =	stream.indirect.scatter.add.f32 [tilespmem:s15], [sflag:$0x2], $0x80, s31, s14, $0xb8;
	[tilespmem:$0x1D400] =	vst v63  }
0x20: {  	_ =	swait.ge [sflag:s11], $0x4000  }
0x21: {  	s19 =	simm.s32 $0x400;
	s18 =	simm.s32 $0x200;
	[sflag:s11] =	ssyncset.done $0x0  }
.LBB2_2:
0x22: {  	s20 =	sshra.s32 s18, $0x2  }
0x23: {  	[sflag:s11] =	ssyncadd.s32 $0xFFFFC000;
	s18 =	smov.u32 s19;
	s21 =	sadd.s32 $0x200, s19  }
0x24: {  	[tilespmem:s15], [sflag:$0x1] =	stream.indirect.gather [hbm4b:s4+s14], $0x80, s20, s14, $0xb8;
	[tilespmem:$0x1D400] =	vst v63  }
0x25: {  	p0 =	sne.s32 s19, $0xA000;
	_ =	swait.ge [sflag:s12], $0x4000  }
.Ltmp0:
0x26: {  	[sflag:s12] =	ssyncset.done $0x0;
	(pc) =	sbr.rel @p0 .LBB2_2-.Ltmp0, $4  }
0x27: {  	s19 =	sadd.s32 $0x2C00, s20;
	[sflag:s12] =	ssyncadd.s32 $0xFFFFC000  }
0x28: {  	[spmem:s2] =	stream.indirect.scatter.add.f32 [tilespmem:s15], [sflag:$0x2], $0x80, s19, s14, $0xb8;
	[tilespmem:$0x1D400] =	vst v63  }
0x29: {  	_ =	swait.ge [sflag:s11], $0x4000  }
0x2a: {  	s19 =	smov.u32 s21;
	[sflag:s11] =	ssyncset.done $0x0  }
0x2b: {  	s18 =	sshra.s32 s18, $0x2;
	[sflag:s11] =	ssyncadd.s32 $0xFFFFC000  }
0x2c: {  	[tilespmem:s15], [sflag:$0x1] =	stream.indirect.gather [hbm4b:s4+s14], $0x80, s18, s14, $0xb8;
	[tilespmem:$0x1D400] =	vst v63  }
0x2d: {  	_ =	swait.ge [sflag:s12], $0x4000  }
0x2e: {  	[sflag:s12] =	ssyncset.done $0x0  }
0x2f: {  	s18 =	sadd.s32 $0x2C00, s18;
	[sflag:s12] =	ssyncadd.s32 $0xFFFFC000  }
0x30: {  	[spmem:s2] =	stream.indirect.scatter.add.f32 [tilespmem:s15], [sflag:$0x2], $0x80, s18, s14, $0xb8;
	[tilespmem:$0x1D400] =	vst v63  }
0x31: {  	_ =	swait.ge [sflag:s11], $0x4000  }
0x32: {  	s17 =	sadd.s32 $0x1, s17;
	[sflag:s11] =	ssyncset.done $0x0  }
0x33: {  	p0 =	sne.s32 s17, s9;
	[sflag:s11] =	ssyncadd.s32 $0xFFFFC000  }
.Ltmp1:
0x34: {  	[bflag:$0x0] =	sbarrier.arrive $0xFFFF;
	(pc) =	sbr.rel @p0 .LBB2_1-.Ltmp1, $4  }
0x35: {  	[hbm:s16], [sflag:s6] =	dma.local [spmem:s10], $0x2780  }
0x36: {  	_ =	swait.ge [sflag:s11], $0x2780  }
0x37: {  	[sflag:s11] =	ssyncset.done $0x0  }
0x38: {  	[sflag:s11] =	ssyncadd.s32 $0xFFFFD880  }
0x39: {  	_ =	sfence.sel $0x180000  }
0x3a: {  	[bflag:$0x0] =	sbarrier.arrive $0xFFFF  }
0x3b: {  	p0 =	sne.s32 s1, $0x0;
	_ =	strace $0x9000004D  }
0x3c: {  	s0 =	sadd.s32 @!p0 $0x100000, s0;
	[bflag:$0x2] =	sbarrier.arrive $0xFFFF  }
0x3d: {  	[sflag:s0] =	ssyncadd.tile.s32 @!p0 $0x1;
	_ =	shalt  }
.Lfunc_end2:
_tile_overlayer_lowered:
.L_overlay_start_2:
0x3e: {  	(tag) =	ssettag $0x2  }
0x3f: {  	s0 =	rddreg [dreg:$0x0];
	s2 =	stileid.u32  }
0x40: {  	s1 =	rddreg [dreg:$0x1];
	p0 =	sne.s32 s2, $0x0  }
0x41: {  	s3 =	rddreg [dreg:$0x2];
	[bflag:$0x3] =	sbarrier.arrive $0xFFFF;
	s2 =	simm.s32 @!p0 $0x1C02  }
0x42: {  	[timem:s3], [sflag:s2] =	dma.local @!p0 [hbm:s0], s1  }
0x43: {  	s0 =	simm.s32 @!p0 $0x2  }
0x44: {  	_ =	swait.ge @!p0 [sflag:s0], s1  }
0x45: {  	s1 =	ssub.s32 @!p0 $0x0, s1;
	[sflag:s0] =	ssyncset.done @!p0 $0x0  }
0x46: {  	[sflag:s0] =	ssyncadd.s32 @!p0 s1  }
0x47: {  	[bflag:$0x3] =	sbarrier.arrive $0xFFFF  }
0x48: {  	_ =	shalt  }

// kernel: kernel.19.cloned.1.call-start
scs
__scs_entry_jumppad:
0x0: {  	(pc) =	sbr.rel $0x88, $3  }
0x1: {  	(tag) =	ssettag $0x0;
	lr =	simm.s32 $0x1  }
0x2: {  	[smem:$0x3F90] =	sst lr;
	_ =	strace $0xD0000000  }
0x3: {  	_ = 	snop  }
0x4: {  	_ = 	snop  }
0x5: {  	_ = 	snop  }
0x6: {  	_ = 	snop  }
0x7: {  	_ = 	snop  }
__scs_overlays_trampoline_lowered:
0x8: {  	[smem:$0x3F9F] =	sst s0  }
0x9: {  	[smem:$0x3FA0] =	sst s1  }
0xa: {  	[smem:$0x3FA1] =	sst s2  }
0xb: {  	[smem:$0x3FA2] =	sst s3  }
0xc: {  	[smem:$0x3FA3] =	sst s4  }
0xd: {  	[smem:$0x3FA4] =	sst s5  }
0xe: {  	[smem:$0x3FA5] =	sst s6  }
0xf: {  	[smem:$0x3FA6] =	sst s7  }
0x10: {  	[smem:$0x3FA7] =	sst s8  }
0x11: {  	[smem:$0x3FA8] =	sst s9;
	s0 =	simm.s32 @!p0 $0x0  }
0x12: {  	s1 =	sld [smem:$0x3F8E];
	s0 =	simm.s32 @p0 $0x1  }
0x13: {  	[smem:$0x3FA9] =	sst s0;
	s0 =	simm.s32 @!p1 $0x0  }
0x14: {  	s2 =	sld [smem:$0x3F8D];
	s0 =	simm.s32 @p1 $0x1  }
0x15: {  	[smem:$0x3FAA] =	sst s0;
	s0 =	simm.s32 @!p2 $0x0  }
0x16: {  	s3 =	sld [smem:$0x3FDB];
	s0 =	simm.s32 @p2 $0x1  }
0x17: {  	s4 =	simm.s32 $0x1BF5;
	[smem:$0x3FAC] =	sst s0  }
0x18: {  	s0 =	sld [smem:$0x3F8F];
	_ =	swait.ge [sflag:s4], $0x0  }
0x19: {  	s7 =	sld [smem:$0x3F90]  }
0x1a: {  	s8 =	sadd.s32 $0xFFFFE003, lr  }
0x1b: {  	s9 =	sadd.s32 $0xFFFFFEF7, lr;
	s5 =	simm.s32 $0xFFFFFFFF;
	p2 =	slt.u32 s8, $0xFFFFF086  }
0x1c: {  	p1 =	slt.u32 s9, $0xF7A;
	s5 =	simm.s32 @!p2 $0x0  }
0x1d: {  	s5 =	simm.s32 @p1 $0x1;
	p0 =	seq.s32 s7, s2  }
0x1e: {  	s7 =	smul.u32 @!p0 $0xF7A, s2;
	p2 =	seq.s32 @!p0 s5, $0x0  }
0x1f: {  	s9 =	smul.u32 $0xF7A, s1;
	s8 =	simm.s32 @!p0 $0x1BF5;
	p2 =	por !p2, p0  }
0x20: {  	[sflag:s8] =	ssyncset.s32 @!p0 $0xFFFFF086;
	s6 =	sadd.s32 @!p0 s3, s7;
	s7 =	simm.s32 @!p0 $0x108  }
0x21: {  	s3 =	sadd.s32 s3, s9;
	s6 =	sadd.s32 @!p0 $0x88, s6;
	s7 =	simm.s32 @p2 $0x1082  }
0x22: {  	[simem:s7], [sflag:s8] =	dma.local @!p0 [hbm:s6], $0xF7A  }
0x23: {  	s9 =	sor.u32 $0xD0000000, s2;
	s6 =	simm.s32 $0x108;
	_ =	swait.ge @!p0 [sflag:s8], $0x0  }
0x24: {  	s3 =	sadd.s32 $0x88, s3;
	s6 =	simm.s32 @!p1 $0x1082;
	[sflag:s4] =	ssyncset.s32 $0xFFFFF086  }
0x25: {  	[simem:s6], [sflag:s4] =	dma.local [hbm:s3], $0xF7A  }
0x26: {  	[smem:$0x3F90] =	sst s1;
	(tag) =	ssettag s2;
	_ =	strace s9  }
0x27: {  	s1 =	sld [smem:$0x3FA0]  }
0x28: {  	s2 =	sld [smem:$0x3FA1]  }
0x29: {  	s4 =	sld [smem:$0x3FA3]  }
0x2a: {  	p0 =	seq.s32 s5, $0x0;
	s5 =	sld [smem:$0x3FA4]  }
0x2b: {  	s6 =	sld [smem:$0x3FA5]  }
0x2c: {  	s7 =	sld [smem:$0x3FA6]  }
0x2d: {  	s3 =	simm.s32 $0x108;
	s8 =	sld [smem:$0x3FA7]  }
0x2e: {  	s3 =	simm.s32 @!p0 $0x1082;
	s9 =	sld [smem:$0x3FA8]  }
0x2f: {  	lr =	sadd.s32 s0, s3;
	s0 =	sld [smem:$0x3F9F]  }
0x30: {  	s3 =	sld [smem:$0x3FA2]  }
0x31: {  	[smem:$0x3FAB] =	sst s10  }
0x32: {  	s10 =	sld [smem:$0x3FA9];
	_ =	sdelay $0x3  }
0x33: {  	p0 =	seq.s32 s10, $0x1;
	s10 =	sld [smem:$0x3FAB];
	_ =	sdelay $0x3  }
0x34: {  	[smem:$0x3FAB] =	sst s10  }
0x35: {  	s10 =	sld [smem:$0x3FAA];
	_ =	sdelay $0x3  }
0x36: {  	p1 =	seq.s32 s10, $0x1;
	s10 =	sld [smem:$0x3FAB];
	_ =	sdelay $0x3  }
0x37: {  	[smem:$0x3FAB] =	sst s10  }
0x38: {  	s10 =	sld [smem:$0x3FAC]  }
0x39: {  	_ = 	snop;
	(pc) =	sbr.ind lr, $3  }
0x3a: {  	_ = 	snop  }
0x3b: {  	_ = 	snop  }
0x3c: {  	p2 =	seq.s32 s10, $0x1;
	s10 =	sld [smem:$0x3FAB]  }
0x3d: {  	_ =	shalt  }
0x3e: {  	_ =	shalt  }
0x3f: {  	_ =	shalt  }
0x40: {  	_ =	shalt  }
0x41: {  	_ =	shalt  }
0x42: {  	_ =	shalt  }
0x43: {  	_ =	shalt  }
0x44: {  	_ =	shalt  }
0x45: {  	_ =	shalt  }
0x46: {  	_ =	shalt  }
0x47: {  	_ =	shalt  }
0x48: {  	_ =	shalt  }
0x49: {  	_ =	shalt  }
0x4a: {  	_ =	shalt  }
0x4b: {  	_ =	shalt  }
0x4c: {  	_ =	shalt  }
0x4d: {  	_ =	shalt  }
0x4e: {  	_ =	shalt  }
0x4f: {  	_ =	shalt  }
0x50: {  	_ =	shalt  }
0x51: {  	_ =	shalt  }
0x52: {  	_ =	shalt  }
0x53: {  	_ =	shalt  }
0x54: {  	_ =	shalt  }
0x55: {  	_ =	shalt  }
0x56: {  	_ =	shalt  }
0x57: {  	_ =	shalt  }
0x58: {  	_ =	shalt  }
0x59: {  	_ =	shalt  }
0x5a: {  	_ =	shalt  }
0x5b: {  	_ =	shalt  }
0x5c: {  	_ =	shalt  }
0x5d: {  	_ =	shalt  }
0x5e: {  	_ =	shalt  }
0x5f: {  	_ =	shalt  }
0x60: {  	_ =	shalt  }
0x61: {  	_ =	shalt  }
0x62: {  	_ =	shalt  }
0x63: {  	_ =	shalt  }
0x64: {  	_ =	shalt  }
0x65: {  	_ =	shalt  }
0x66: {  	_ =	shalt  }
0x67: {  	_ =	shalt  }
0x68: {  	_ =	shalt  }
0x69: {  	_ =	shalt  }
0x6a: {  	_ =	shalt  }
0x6b: {  	_ =	shalt  }
0x6c: {  	_ =	shalt  }
0x6d: {  	_ =	shalt  }
0x6e: {  	_ =	shalt  }
0x6f: {  	_ =	shalt  }
0x70: {  	_ =	shalt  }
0x71: {  	_ =	shalt  }
0x72: {  	_ =	shalt  }
0x73: {  	_ =	shalt  }
0x74: {  	_ =	shalt  }
0x75: {  	_ =	shalt  }
0x76: {  	_ =	shalt  }
0x77: {  	_ =	shalt  }
0x78: {  	_ =	shalt  }
0x79: {  	_ =	shalt  }
0x7a: {  	_ =	shalt  }
0x7b: {  	_ =	shalt  }
0x7c: {  	_ =	shalt  }
0x7d: {  	_ =	shalt  }
0x7e: {  	_ =	shalt  }
0x7f: {  	_ =	shalt  }
0x80: {  	_ =	shalt  }
0x81: {  	_ =	shalt  }
0x82: {  	_ =	shalt  }
0x83: {  	_ =	shalt  }
0x84: {  	_ =	shalt  }
0x85: {  	_ =	shalt  }
0x86: {  	_ =	shalt  }
0x87: {  	_ =	shalt  }
.Lfunc_end0:
.L_simem_size_0:
called_computation.3_lowered:
.L_overlay_start_0:
0x88: {  	s2 =	sld [smem:$0x3FD9]  }
0x89: {  	s3 =	sld [smem:$0x3FFE];
	_ =	sdelay $0x1  }
0x8a: {  	s1 =	srdreg.scid  }
0x8b: {  	s0 =	sand.u32 $0x1, s1  }
0x8c: {  	s16 =	sshll.u32 s0, $0xA;
	s2 =	sadd.s32 s3, s2  }
0x8d: {  	s2 =	sadd.s32 s2, s16  }
0x8e: {  	[smem:$0x3FB7] =	sst s2  }
0x8f: {  	_ = 	snop  }
0x90: {  	(tm) =	ssettm $0x1  }
0x91: {  	s17 =	sld [smem:$0x3FFB];
	_ =	sdelay $0x3  }
0x92: {  	_ =	strace s17  }
0x93: {  	s2 =	sld [smem:$0x3FFC];
	_ =	sdelay $0x3  }
0x94: {  	_ =	strace s2  }
0x95: {  	s2 =	sld [smem:$0x3FFD];
	_ =	sdelay $0x3  }
0x96: {  	_ =	strace s2  }
0x97: {  	_ =	strace $0x8FFFFFFF  }
0x98: {  	s18 =	sld [smem:$0x3FDB];
	_ =	sdelay $0x1  }
0x99: {  	s19 =	simm.s32 $_scs_section_size  }
0x9a: {  	s4 =	simm.s32 $_size__tile_overlayer_lowered;
	s5 =	simm.s32 $_tile_overlayer_lowered  }
0x9b: {  	s22 =	simm.s32 $0x1BFF;
	s21 =	sshll.u32 s5, $0x1;
	s2 =	sadd.s32 s19, s18  }
0x9c: {  	s6 =	simm.s32 $0x0;
	s20 =	sshll.u32 s4, $0x1;
	s4 =	sadd.s32 s21, s2  }
0x9d: {  	[timem:s6], [sflag:s22] =	dma.local [hbm:s4], s20  }
0x9e: {  	_ =	swait.ge [sflag:s22], s20  }
0x9f: {  	s3 =	ssub.s32 $0x0, s20;
	[sflag:s22] =	ssyncset.done $0x0  }
0xa0: {  	[sflag:s22] =	ssyncadd.s32 s3;
	_ =	sdelay $0x1  }
0xa1: {  	s23 =	simm.s32 $0x1B8B  }
0xa2: {  	_ =	swait.ge [sflag:s23], $0x1  }
0xa3: {  	[sflag:s23] =	ssyncset.done $0x0  }
0xa4: {  	s25 =	simm.s32 $0x1B8E;
	s24 =	sld [smem:$0x3FFE];
	[sflag:s23] =	ssyncadd.s32 $0xFFFFFFFF  }
0xa5: {  	s26 =	simm.s32 $execute0_lowered;
	[smem:$0x3FD2] =	sst s25  }
0xa6: {  	s4 =	sshll.u32 s26, $0x1;
	_ =	strace $0x8000004F;
	[dreg:$0x1] =	wrdreg $0xFFFFFFFF  }
0xa7: {  	s28 =	simm.s32 $_size_execute0_lowered;
	s2 =	sadd.s32 s2, s4;
	[dreg:$0x0] =	wrdreg $0x0  }
0xa8: {  	s4 =	sshll.u32 s28, $0x1;
	[dreg:$0x2] =	wrdreg s2  }
0xa9: {  	[dreg:$0x3] =	wrdreg s4  }
0xaa: {  	[dreg:$0x4] =	wrdreg $0xC0  }
0xab: {  	_ =	task [dreg:s6], $0x5FFFF  }
0xac: {  	[dreg:$0x1] =	wrdreg $0xFFFFFFFF  }
0xad: {  	[dreg:$0x0] =	wrdreg $0x60  }
0xae: {  	[dreg:$0x2] =	wrdreg s24  }
0xaf: {  	[dreg:$0x3] =	wrdreg $0x98000  }
0xb0: {  	[dreg:$0x4] =	wrdreg $0x9  }
0xb1: {  	_ =	task.clear_ibuf [dreg:s6], $0x5FFFF;
	_ =	strace $0x9000004F  }
0xb2: {  	s29 =	simm.s32 $0x9;
	_ =	strace $0x80000051  }
0xb3: {  	_ =	swait.ge [sflag:s29], $0x1  }
0xb4: {  	[sflag:s29] =	ssyncadd.s32 $0xFFFFFFFF  }
0xb5: {  	_ =	strace $0x90000051  }
0xb6: {  	_ =	sfence  }
0xb7: {  	s30 =	sld [smem:$0x0];
	_ =	sdelay $0x2  }
0xb8: {  	s31 =	sshll.u32 s1, $0xD;
	s1 =	sshrl.u32 s1, $0x2  }
0xb9: {  	s3 =	sand.u32 $0x4000, s31;
	s1 =	sadd.s32 s1, s30  }
0xba: {  	s0 =	sor.u32 s3, s0;
	s1 =	sshll.u32 s1, $0x11  }
0xbb: {  	s0 =	sor.u32 s1, s0  }
0xbc: {  	s0 =	sadd.s32 $0x8F2B, s0  }
0xbd: {  	[sflag:s0] =	ssyncadd.remote.s32 $0x1  }
0xbe: {  	_ =	sfence.sel $0xFFFF  }
0xbf: {  	[dreg:$0x0] =	wrdreg $0xFFFFFFFF;
	(pc) =	sbr.abs _section_cstart, $3  }
0xc0: {  	[dreg:$0x1] =	wrdreg $0xFFFFFFFF  }
0xc1: {  	_ =	task.clear_ibuf [dreg:s6], $0x2FFFF;
	_ =	strace $0x9FFFFFFF  }
0xc2: {  	(tm) =	ssettm $0x7FFFFFFF  }
0xc3: {  	_ =	shalt  }
tec
execute0_lowered:
.L_overlay_start_1:
0x0: {  	(tag) =	ssettag $0x1  }
0x1: {  	s0 =	srdreg.scid;
	s6 =	rddreg [dreg:$0x0]  }
0x2: {  	s2 =	rddreg [dreg:$0x1];
	s1 =	stileid.u32;
	s3 =	simm.s32 $0x0  }
0x3: {  	s13 =	simm.s32 $0x2C00;
	s14 =	simm.s32 $0x80;
	s15 =	simm.s32 $0x5800  }
0x4: {  	s5 =	sand.u32 $0x1, s0;
	s0 =	rddreg [dreg:$0x2];
	s10 =	smul.u32 $0x4F000, s1  }
0x5: {  	[smem:$0x7FF] =	sst s3;
	s31 =	sshll.u32 s1, $0x6;
	s17 =	smul.u32 $0x2780, s1  }
0x6: {  	s4 =	sshll.u32 s5, $0x4;
	_ =	strace $0x80000050;
	s8 =	smul.u32 $0x27800, s5  }
0x7: {  	s28 =	ssub.s32 $0x2, s5;
	s5 =	sadd.s32 $0xE800, s6;
	s4 =	sor.u32 s1, s4  }
0x8: {  	s29 =	sshrl.u32 s28, $0x1;
	s30 =	sshrl.u32 s10, $0x2;
	s7 =	smul.u32 $0x580, s4  }
0x9: {  	s4 =	sadd.s32 $0x11000, s6;
	s11 =	sadd.s32 s8, s6;
	s10 =	sadd.s32 s30, s2  }
0xa: {  	s12 =	ssub.s32 s28, s29;
	s16 =	sadd.s32 $0x6B800, s11;
	s10 =	sshrl.u32 s10, $0x3  }
0xb: {  	s11 =	simm.s32 $0x2;
	s9 =	sadd.s32 s7, s6;
	s6 =	sor.u32 $0x1C02, s31  }
0xc: {  	s16 =	sadd.s32 s17, s16;
	s17 =	simm.s32 $0x0;
	s7 =	sadd.s32 $0x60800, s9  }
0xd: {  	s8 =	sadd.s32 $0x3800, s9;
	s9 =	smax.u32 s12, $0x1;
	s12 =	simm.s32 $0x1  }
.LBB2_1:
0xe: {  	[spmem:s10], [sflag:s6] =	dma.local [hbm:s5], $0x2780  }
0xf: {  	_ =	swait.ge [sflag:s11], $0x2780  }
0x10: {  	[sflag:s11] =	ssyncset.done $0x0  }
0x11: {  	[sflag:s11] =	ssyncadd.s32 $0xFFFFD880  }
0x12: {  	[tilespmem:s3], [sflag:$0x1] =	stream.linear.gather [hbm4b:s7+s3], $0x2880, $0x38;
	[tilespmem:$0x1D400] =	vst v63  }
0x13: {  	_ =	swait.ge [sflag:s12], $0x2880  }
0x14: {  	[sflag:s12] =	ssyncset.done $0x0  }
0x15: {  	[sflag:s12] =	ssyncadd.s32 $0xFFFFD780  }
0x16: {  	[tilespmem:s13], [sflag:$0x1] =	stream.linear.gather [hbm4b:s8+s3], $0x2880, $0x38;
	[tilespmem:$0x1D400] =	vst v63  }
0x17: {  	_ =	swait.ge [sflag:s12], $0x2880  }
0x18: {  	[sflag:s12] =	ssyncset.done $0x0  }
0x19: {  	[sflag:s12] =	ssyncadd.s32 $0xFFFFD780  }
0x1a: {  	s18 =	simm.s32 $0x0;
	[bflag:$0x0] =	sbarrier.arrive $0xFFFF  }
0x1b: {  	[tilespmem:s15], [sflag:$0x1] =	stream.indirect.gather [hbm4b:s4+s14], $0x80, s18, s14, $0xb8;
	[tilespmem:$0x1D400] =	vst v63  }
0x1c: {  	_ =	swait.ge [sflag:s12], $0x4000  }
0x1d: {  	[sflag:s12] =	ssyncset.done $0x0  }
0x1e: {  	s31 =	simm.s32 $0x2C00;
	[sflag:s12] =	ssyncadd.s32 $0xFFFFC000  }
0x1f: {  	[spmem:s2] =	stream.indirect.scatter.add.f32 [tilespmem:s15], [sflag:$0x2], $0x80, s31, s14, $0xb8;
	[tilespmem:$0x1D400] =	vst v63  }
0x20: {  	_ =	swait.ge [sflag:s11], $0x4000  }
0x21: {  	s19 =	simm.s32 $0x400;
	s18 =	simm.s32 $0x200;
	[sflag:s11] =	ssyncset.done $0x0  }
.LBB2_2:
0x22: {  	s20 =	sshra.s32 s18, $0x2  }
0x23: {  	[sflag:s11] =	ssyncadd.s32 $0xFFFFC000;
	s18 =	smov.u32 s19;
	s21 =	sadd.s32 $0x200, s19  }
0x24: {  	[tilespmem:s15], [sflag:$0x1] =	stream.indirect.gather [hbm4b:s4+s14], $0x80, s20, s14, $0xb8;
	[tilespmem:$0x1D400] =	vst v63  }
0x25: {  	p0 =	sne.s32 s19, $0xA000;
	_ =	swait.ge [sflag:s12], $0x4000  }
.Ltmp0:
0x26: {  	[sflag:s12] =	ssyncset.done $0x0;
	(pc) =	sbr.rel @p0 .LBB2_2-.Ltmp0, $4  }
0x27: {  	s19 =	sadd.s32 $0x2C00, s20;
	[sflag:s12] =	ssyncadd.s32 $0xFFFFC000  }
0x28: {  	[spmem:s2] =	stream.indirect.scatter.add.f32 [tilespmem:s15], [sflag:$0x2], $0x80, s19, s14, $0xb8;
	[tilespmem:$0x1D400] =	vst v63  }
0x29: {  	_ =	swait.ge [sflag:s11], $0x4000  }
0x2a: {  	s19 =	smov.u32 s21;
	[sflag:s11] =	ssyncset.done $0x0  }
0x2b: {  	s18 =	sshra.s32 s18, $0x2;
	[sflag:s11] =	ssyncadd.s32 $0xFFFFC000  }
0x2c: {  	[tilespmem:s15], [sflag:$0x1] =	stream.indirect.gather [hbm4b:s4+s14], $0x80, s18, s14, $0xb8;
	[tilespmem:$0x1D400] =	vst v63  }
0x2d: {  	_ =	swait.ge [sflag:s12], $0x4000  }
0x2e: {  	[sflag:s12] =	ssyncset.done $0x0  }
0x2f: {  	s18 =	sadd.s32 $0x2C00, s18;
	[sflag:s12] =	ssyncadd.s32 $0xFFFFC000  }
0x30: {  	[spmem:s2] =	stream.indirect.scatter.add.f32 [tilespmem:s15], [sflag:$0x2], $0x80, s18, s14, $0xb8;
	[tilespmem:$0x1D400] =	vst v63  }
0x31: {  	_ =	swait.ge [sflag:s11], $0x4000  }
0x32: {  	s17 =	sadd.s32 $0x1, s17;
	[sflag:s11] =	ssyncset.done $0x0  }
0x33: {  	p0 =	sne.s32 s17, s9;
	[sflag:s11] =	ssyncadd.s32 $0xFFFFC000  }
.Ltmp1:
0x34: {  	[bflag:$0x0] =	sbarrier.arrive $0xFFFF;
	(pc) =	sbr.rel @p0 .LBB2_1-.Ltmp1, $4  }
0x35: {  	[hbm:s16], [sflag:s6] =	dma.local [spmem:s10], $0x2780  }
0x36: {  	_ =	swait.ge [sflag:s11], $0x2780  }
0x37: {  	[sflag:s11] =	ssyncset.done $0x0  }
0x38: {  	[sflag:s11] =	ssyncadd.s32 $0xFFFFD880  }
0x39: {  	_ =	sfence.sel $0x180000  }
0x3a: {  	[bflag:$0x0] =	sbarrier.arrive $0xFFFF  }
0x3b: {  	p0 =	sne.s32 s1, $0x0;
	_ =	strace $0x90000050  }
0x3c: {  	s0 =	sadd.s32 @!p0 $0x100000, s0;
	[bflag:$0x2] =	sbarrier.arrive $0xFFFF  }
0x3d: {  	[sflag:s0] =	ssyncadd.tile.s32 @!p0 $0x1;
	_ =	shalt  }
.Lfunc_end2:
_tile_overlayer_lowered:
.L_overlay_start_2:
0x3e: {  	(tag) =	ssettag $0x2  }
0x3f: {  	s0 =	rddreg [dreg:$0x0];
	s2 =	stileid.u32  }
0x40: {  	s1 =	rddreg [dreg:$0x1];
	p0 =	sne.s32 s2, $0x0  }
0x41: {  	s3 =	rddreg [dreg:$0x2];
	[bflag:$0x3] =	sbarrier.arrive $0xFFFF;
	s2 =	simm.s32 @!p0 $0x1C02  }
0x42: {  	[timem:s3], [sflag:s2] =	dma.local @!p0 [hbm:s0], s1  }
0x43: {  	s0 =	simm.s32 @!p0 $0x2  }
0x44: {  	_ =	swait.ge @!p0 [sflag:s0], s1  }
0x45: {  	s1 =	ssub.s32 @!p0 $0x0, s1;
	[sflag:s0] =	ssyncset.done @!p0 $0x0  }
0x46: {  	[sflag:s0] =	ssyncadd.s32 @!p0 s1  }
0x47: {  	[bflag:$0x3] =	sbarrier.arrive $0xFFFF  }
0x48: {  	_ =	shalt  }

</sc_bundles>
